<compile_context>
chip_gen: v7x
topology: tpu7x:2x2x1
jax: 0.10.2.dev20260603
libtpu: 0.0.44.dev20260713+nightly
codegen_flags: <defaults>
</compile_context>

<pallas_src>
import functools

import jax
import jax.numpy as jnp
from jax import lax
from jax.experimental import pallas as pl
from jax.experimental.pallas import tpu as pltpu
from jax.experimental.pallas import tpu_sc as plsc

N_NODES = 10000
N_EDGES = 320000
D = 128

NC = 2
NS = 16
NW = NC * NS
NP = 10240
RPT = NP // NS
CH = 80
EPW = N_EDGES // NW
NCH = EPW // CH
DCH_W = 80
DCH = N_EDGES // (NC * NS) // DCH_W

_mesh = plsc.VectorSubcoreMesh(core_axis_name="c", subcore_axis_name="s")


@functools.partial(
    pl.kernel,
    out_type=jax.ShapeDtypeStruct((NC, NP), jnp.float32),
    mesh=_mesh,
    scratch_types=[
        pltpu.VMEM((DCH, DCH_W), jnp.int32),
        pltpu.VMEM((DCH_W,), jnp.float32),
        pltpu.VMEM((RPT,), jnp.float32),
        pltpu.VMEM_SHARED((NP,), jnp.float32),
        pltpu.SemaphoreType.DMA,
    ],
)
def _deg(dst4_hbm, zeros1_hbm, ones_hbm, deg_hbm, dstall, onesv, degv, deg_sh,
         sem):
    c = lax.axis_index("c")
    s = lax.axis_index("s")
    base_r = s * RPT
    pltpu.sync_copy(zeros1_hbm, degv)
    pltpu.sync_copy(degv, deg_sh.at[pl.ds(base_r, RPT)])
    pltpu.sync_copy(ones_hbm, onesv)
    pltpu.sync_copy(dst4_hbm.at[c, s], dstall)
    plsc.subcore_barrier()

    k = 5

    def group(g, carry):
        for b in range(k):
            pltpu.async_copy(onesv, deg_sh.at[dstall.at[g * k + b]], sem,
                             add=True)
        for b in range(k):
            pltpu.make_async_copy(onesv, deg_sh.at[dstall.at[g * k + b]],
                                  sem).wait()
        return carry

    lax.fori_loop(0, DCH // k, group, 0)
    plsc.subcore_barrier()

    pltpu.sync_copy(deg_sh.at[pl.ds(base_r, RPT)], degv)
    pltpu.sync_copy(degv, deg_hbm.at[c, pl.ds(base_r, RPT)])


@functools.partial(
    pl.kernel,
    out_type=jax.ShapeDtypeStruct((NC, NP, D), jnp.float32),
    mesh=_mesh,
    scratch_types=[
        pltpu.VMEM((CH,), jnp.int32),
        pltpu.VMEM((CH,), jnp.int32),
        pltpu.VMEM((CH,), jnp.int32),
        pltpu.VMEM((CH,), jnp.int32),
        pltpu.VMEM((CH,), jnp.int32),
        pltpu.VMEM((CH,), jnp.int32),
        pltpu.VMEM((CH,), jnp.int32),
        pltpu.VMEM((CH,), jnp.int32),
        pltpu.VMEM((CH, D), jnp.float32),
        pltpu.VMEM((CH, D), jnp.float32),
        pltpu.VMEM_SHARED((NP, D), jnp.float32),
        pltpu.SemaphoreType.DMA,
        pltpu.SemaphoreType.DMA,
        pltpu.SemaphoreType.DMA,
        pltpu.SemaphoreType.DMA,
        pltpu.SemaphoreType.DMA,
        pltpu.SemaphoreType.DMA,
    ],
)
def _gather_scatter(src_hbm, dst_hbm, g_hbm, zeros2_hbm, out_hbm,
                    srcv0, srcv1, srcv2, srcv3, dstv0, dstv1, dstv2, dstv3,
                    rows0, rows1, acc_sh,
                    si0, si1, si2, si3, sg0, sg1):
    c = lax.axis_index("c")
    s = lax.axis_index("s")
    base_r = s * RPT
    base_e = (s * NC + c) * EPW
    srcs = (srcv0, srcv1, srcv2, srcv3)
    dsts = (dstv0, dstv1, dstv2, dstv3)
    rows = (rows0, rows1)
    sis = (si0, si1, si2, si3)
    sgs = (sg0, sg1)

    def start_idx(j, q):
        off = base_e + j * CH
        pltpu.async_copy(src_hbm.at[pl.ds(off, CH)], srcs[q], sis[q])
        pltpu.async_copy(dst_hbm.at[pl.ds(off, CH)], dsts[q], sis[q])

    def wait_idx(j, q):
        off = base_e + j * CH
        pltpu.make_async_copy(src_hbm.at[pl.ds(off, CH)], srcs[q], sis[q]).wait()
        pltpu.make_async_copy(dst_hbm.at[pl.ds(off, CH)], dsts[q], sis[q]).wait()

    def start_gather(q, r):
        pltpu.async_copy(g_hbm.at[srcs[q]], rows[r], sgs[r])

    def wait_gather(q, r):
        pltpu.make_async_copy(g_hbm.at[srcs[q]], rows[r], sgs[r]).wait()

    start_idx(0, 0)
    start_idx(1, 1)
    start_idx(2, 2)
    pltpu.sync_copy(zeros2_hbm, acc_sh.at[pl.ds(base_r, RPT)])
    plsc.subcore_barrier()
    wait_idx(0, 0)
    start_gather(0, 0)

    def quad(gq, carry):
        for b in range(4):
            j = gq * 4 + b
            q, r = b, b % 2
            wait_gather(q, r)
            wait_idx(j + 1, (b + 1) % 4)
            start_gather((b + 1) % 4, 1 - r)

            @pl.when(j + 3 < NCH)
            def _():
                start_idx(j + 3, (b + 3) % 4)

            pltpu.sync_copy(rows[r], acc_sh.at[dsts[q]], add=True)
        return carry

    lax.fori_loop(0, (NCH - 1) // 4, quad, 0)
    wait_gather(0, 0)
    pltpu.sync_copy(rows[0], acc_sh.at[dsts[0]], add=True)
    plsc.subcore_barrier()

    pltpu.sync_copy(acc_sh.at[pl.ds(base_r, RPT)], out_hbm.at[c, pl.ds(base_r, RPT)])



_RB = 2000
_NB = N_NODES // _RB

_row_spec = pl.BlockSpec((_RB, D), lambda i: (i, 0))
_col_spec = pl.BlockSpec((_RB, 1), lambda i: (i, 0))
_w_spec = pl.BlockSpec((D, D), lambda i: (0, 0))
_b_spec = pl.BlockSpec((1, D), lambda i: (0, 0))


def _mm_scale_body(x_ref, w_ref, deg0_ref, deg1_ref, g_ref, dinv_ref):
    dinv = lax.rsqrt(deg0_ref[...] + deg1_ref[...] + 1.0)
    dinv_ref[...] = dinv
    h = jnp.dot(x_ref[...], w_ref[...], preferred_element_type=jnp.float32)
    g_ref[...] = h * dinv


_mm_scale = pl.pallas_call(
    _mm_scale_body,
    grid=(_NB,),
    in_specs=[_row_spec, _w_spec, _col_spec, _col_spec],
    out_specs=(_row_spec, _col_spec),
    out_shape=(
        jax.ShapeDtypeStruct((N_NODES, D), jnp.float32),
        jax.ShapeDtypeStruct((N_NODES, 1), jnp.float32),
    ),
)


_p0_spec = pl.BlockSpec((1, _RB, D), lambda i: (0, i, 0))
_p1_spec = pl.BlockSpec((1, _RB, D), lambda i: (1, i, 0))


def _layer2_body(p0_ref, p1_ref, g1_ref, dinv_ref, w_ref, b_ref, g2_ref):
    pre = (dinv_ref[...] * (p0_ref[0] + p1_ref[0] + g1_ref[...])
           + b_ref[...])
    x1 = pre * 0.5 * (1.0 + lax.erf(pre * 0.7071067811865476))
    h2 = jnp.dot(x1, w_ref[...], preferred_element_type=jnp.float32)
    g2_ref[...] = h2 * dinv_ref[...]


_layer2 = pl.pallas_call(
    _layer2_body,
    grid=(_NB,),
    in_specs=[_p0_spec, _p1_spec, _row_spec, _col_spec, _w_spec, _b_spec],
    out_specs=_row_spec,
    out_shape=jax.ShapeDtypeStruct((N_NODES, D), jnp.float32),
)


def _final_body(q0_ref, q1_ref, g2_ref, dinv_ref, b_ref, out_ref):
    out_ref[...] = (
        dinv_ref[...] * (q0_ref[0] + q1_ref[0] + g2_ref[...]) + b_ref[...]
    )


_final = pl.pallas_call(
    _final_body,
    grid=(_NB,),
    in_specs=[_p0_spec, _p1_spec, _row_spec, _col_spec, _b_spec],
    out_specs=_row_spec,
    out_shape=jax.ShapeDtypeStruct((N_NODES, D), jnp.float32),
)


def kernel(x, edge_index, W1, b1, W2, b2):
    ei = edge_index.astype(jnp.int32)
    src = ei[0]
    dst = ei[1]
    dst4 = dst.reshape(NC, NS, DCH, DCH_W)
    zeros1 = jnp.zeros((RPT,), jnp.float32)
    ones = jnp.ones((DCH_W,), jnp.float32)
    zeros2 = jnp.zeros((RPT, D), jnp.float32)

    deg_p = _deg(dst4, zeros1, ones)
    deg0 = deg_p[0, :N_NODES].reshape(N_NODES, 1)
    deg1 = deg_p[1, :N_NODES].reshape(N_NODES, 1)

    g1, dinv = _mm_scale(x, W1, deg0, deg1)
    acc1 = _gather_scatter(src, dst, g1, zeros2)
    g2 = _layer2(acc1, acc1, g1, dinv, W2, b1.reshape(1, D))
    acc2 = _gather_scatter(src, dst, g2, zeros2)
    out = _final(acc2, acc2, g2, dinv, b2.reshape(1, D))
    return out

# --- scband reference (transcript-rebuilt; emitter-appended) ---
"""Pipeline reference for scband-enhanced-gcnencoder-67156108640277 (READ-ONLY COPY).

The authoritative reference and input builder live on the scoring server;
editing this copy changes nothing except your own understanding.
"""

import jax, jax.numpy as jnp
import numpy as np

N_NODES = 10000
N_EDGES = 320000
D_IN = 128
D_H1 = 128
D_H2 = 128


def gcn_conv(x, edge_index, W, b, num_nodes):
    # PyG GCNConv with add_self_loops=True, normalize=True, bias=True
    src = edge_index[0]
    dst = edge_index[1]
    loop = jnp.arange(num_nodes, dtype=edge_index.dtype)
    src = jnp.concatenate([src, loop])
    dst = jnp.concatenate([dst, loop])
    ew = jnp.ones(src.shape[0], dtype=x.dtype)
    # degree computed on destination (col) nodes, including self-loops
    deg = jnp.zeros((num_nodes,), dtype=x.dtype).at[dst].add(ew)
    deg_inv_sqrt = jnp.where(deg > 0, deg ** -0.5, 0.0)
    norm = deg_inv_sqrt[src] * ew * deg_inv_sqrt[dst]
    h = x @ W
    msg = h[src] * norm[:, None]
    out = jnp.zeros((num_nodes, h.shape[1]), dtype=h.dtype).at[dst].add(msg)
    return out + b


def setup_inputs(seed: int = 0) -> dict:
    key = jax.random.key(seed)
    k1, k2, k3, k4, k5 = jax.random.split(key, 5)
    x = jax.random.normal(k1, (N_NODES, D_IN), dtype=jnp.float32)
    edge_index = jax.random.randint(k2, (2, N_EDGES), 0, N_NODES, dtype=jnp.int64)
    # Glorot init for GCN weights (PyG default), zeros for bias
    s1 = (6.0 / (D_IN + D_H1)) ** 0.5
    W1 = jax.random.uniform(k3, (D_IN, D_H1), dtype=jnp.float32, minval=-s1, maxval=s1)
    b1 = jnp.zeros((D_H1,), dtype=jnp.float32)
    s2 = (6.0 / (D_H1 + D_H2)) ** 0.5
    W2 = jax.random.uniform(k4, (D_H1, D_H2), dtype=jnp.float32, minval=-s2, maxval=s2)
    b2 = jnp.zeros((D_H2,), dtype=jnp.float32)
    return {"x": x, "edge_index": edge_index, "W1": W1, "b1": b1, "W2": W2, "b2": b2}


def reference(x, edge_index, W1, b1, W2, b2):
    num_nodes = x.shape[0]
    x1 = gcn_conv(x, edge_index, W1, b1, num_nodes)
    x1 = jax.nn.gelu(x1, approximate=False)
    # dropout(p=0.2) is identity in eval mode
    x2 = gcn_conv(x1, edge_index, W2, b2, num_nodes)
    return x2

if __name__ == "__main__":
    import jax
    _d = setup_inputs()
    print(jax.jit(kernel)(*tuple(_d.values())))

</pallas_src>

<mosaic_0001>
#map = affine_map<(d0, d1) -> (0)>
#map1 = affine_map<(d0, d1) -> (0, 0)>
#map2 = affine_map<(d0, d1) -> (0, 0, 0)>
module attributes {stable_mosaic.version = 14 : i64} {
  func.func @_gather_scatter(%arg0: i32, %arg1: i32, %arg2: memref<320000xi32, #tpu.memory_space<hbm>>, %arg3: memref<320000xi32, #tpu.memory_space<hbm>>, %arg4: memref<10000x128xf32, #tpu.memory_space<hbm>>, %arg5: memref<640x128xf32, #tpu.memory_space<hbm>>, %arg6: memref<2x10240x128xf32, #tpu.memory_space<hbm>>, %arg7: memref<80xi32, #tpu.memory_space<vmem>>, %arg8: memref<80xi32, #tpu.memory_space<vmem>>, %arg9: memref<80xi32, #tpu.memory_space<vmem>>, %arg10: memref<80xi32, #tpu.memory_space<vmem>>, %arg11: memref<80xi32, #tpu.memory_space<vmem>>, %arg12: memref<80xi32, #tpu.memory_space<vmem>>, %arg13: memref<80xi32, #tpu.memory_space<vmem>>, %arg14: memref<80xi32, #tpu.memory_space<vmem>>, %arg15: memref<80x128xf32, #tpu.memory_space<vmem>>, %arg16: memref<80x128xf32, #tpu.memory_space<vmem>>, %arg17: memref<10240x128xf32, #tpu.memory_space<vmem_shared>>, %arg18: memref<!tpu.dma_semaphore, #tpu.memory_space<semaphore_mem>>, %arg19: memref<!tpu.dma_semaphore, #tpu.memory_space<semaphore_mem>>, %arg20: memref<!tpu.dma_semaphore, #tpu.memory_space<semaphore_mem>>, %arg21: memref<!tpu.dma_semaphore, #tpu.memory_space<semaphore_mem>>, %arg22: memref<!tpu.dma_semaphore, #tpu.memory_space<semaphore_mem>>, %arg23: memref<!tpu.dma_semaphore, #tpu.memory_space<semaphore_mem>>) attributes {dimension_semantics = [#tpu.dimension_semantics<core_parallel>, #tpu.dimension_semantics<subcore_parallel>], iteration_bounds = array<i64: 2, 16>, scalar_prefetch = 0 : i64, scratch_operands = 17 : i64, tpu.core_type = #tpu.core_type<sc_vector_subcore>, window_params = [{transform_indices = #map}, {transform_indices = #map}, {transform_indices = #map1}, {transform_indices = #map1}, {transform_indices = #map2}]} {
    %mul3A = arith.constant 640 : i32
    %mul3A_0 = arith.muli %arg1, %mul3A : i32
    %mul3A_1 = arith.constant 2 : i32
    %mul3A_2 = arith.muli %arg1, %mul3A_1 : i32
    %add3A = arith.addi %mul3A_2, %arg0 : i32
    %mul3A_3 = arith.constant 10000 : i32
    %mul3A_4 = arith.muli %add3A, %mul3A_3 : i32
    %add3A_5 = arith.constant 0 : i32
    %add3A_6 = arith.addi %mul3A_4, %add3A_5 : i32
    %dma_start3A = tpu.memref_slice %arg2[%add3A_6] : memref<320000xi32, #tpu.memory_space<hbm>> -> memref<80xi32, #tpu.memory_space<hbm>>
    %dma_start3A_7 = tpu.memref_slice %arg2[%add3A_6] : memref<320000xi32, #tpu.memory_space<hbm>> -> memref<80xi32, #tpu.memory_space<hbm>>
    tpu.enqueue_dma source(%dma_start3A_7 : memref<80xi32, #tpu.memory_space<hbm>>) target(%arg7 : memref<80xi32, #tpu.memory_space<vmem>>) target_semaphore(%arg18 : memref<!tpu.dma_semaphore, #tpu.memory_space<semaphore_mem>>)
    %dma_start3A_8 = tpu.memref_slice %arg3[%add3A_6] : memref<320000xi32, #tpu.memory_space<hbm>> -> memref<80xi32, #tpu.memory_space<hbm>>
    %dma_start3A_9 = tpu.memref_slice %arg3[%add3A_6] : memref<320000xi32, #tpu.memory_space<hbm>> -> memref<80xi32, #tpu.memory_space<hbm>>
    tpu.enqueue_dma source(%dma_start3A_9 : memref<80xi32, #tpu.memory_space<hbm>>) target(%arg11 : memref<80xi32, #tpu.memory_space<vmem>>) target_semaphore(%arg18 : memref<!tpu.dma_semaphore, #tpu.memory_space<semaphore_mem>>)
    %add3A_10 = arith.constant 80 : i32
    %add3A_11 = arith.addi %mul3A_4, %add3A_10 : i32
    %dma_start3A_12 = tpu.memref_slice %arg2[%add3A_11] : memref<320000xi32, #tpu.memory_space<hbm>> -> memref<80xi32, #tpu.memory_space<hbm>>
    %dma_start3A_13 = tpu.memref_slice %arg2[%add3A_11] : memref<320000xi32, #tpu.memory_space<hbm>> -> memref<80xi32, #tpu.memory_space<hbm>>
    tpu.enqueue_dma source(%dma_start3A_13 : memref<80xi32, #tpu.memory_space<hbm>>) target(%arg8 : memref<80xi32, #tpu.memory_space<vmem>>) target_semaphore(%arg19 : memref<!tpu.dma_semaphore, #tpu.memory_space<semaphore_mem>>)
    %dma_start3A_14 = tpu.memref_slice %arg3[%add3A_11] : memref<320000xi32, #tpu.memory_space<hbm>> -> memref<80xi32, #tpu.memory_space<hbm>>
    %dma_start3A_15 = tpu.memref_slice %arg3[%add3A_11] : memref<320000xi32, #tpu.memory_space<hbm>> -> memref<80xi32, #tpu.memory_space<hbm>>
    tpu.enqueue_dma source(%dma_start3A_15 : memref<80xi32, #tpu.memory_space<hbm>>) target(%arg12 : memref<80xi32, #tpu.memory_space<vmem>>) target_semaphore(%arg19 : memref<!tpu.dma_semaphore, #tpu.memory_space<semaphore_mem>>)
    %add3A_16 = arith.constant 160 : i32
    %add3A_17 = arith.addi %mul3A_4, %add3A_16 : i32
    %dma_start3A_18 = tpu.memref_slice %arg2[%add3A_17] : memref<320000xi32, #tpu.memory_space<hbm>> -> memref<80xi32, #tpu.memory_space<hbm>>
    %dma_start3A_19 = tpu.memref_slice %arg2[%add3A_17] : memref<320000xi32, #tpu.memory_space<hbm>> -> memref<80xi32, #tpu.memory_space<hbm>>
    tpu.enqueue_dma source(%dma_start3A_19 : memref<80xi32, #tpu.memory_space<hbm>>) target(%arg9 : memref<80xi32, #tpu.memory_space<vmem>>) target_semaphore(%arg20 : memref<!tpu.dma_semaphore, #tpu.memory_space<semaphore_mem>>)
    %dma_start3A_20 = tpu.memref_slice %arg3[%add3A_17] : memref<320000xi32, #tpu.memory_space<hbm>> -> memref<80xi32, #tpu.memory_space<hbm>>
    %dma_start3A_21 = tpu.memref_slice %arg3[%add3A_17] : memref<320000xi32, #tpu.memory_space<hbm>> -> memref<80xi32, #tpu.memory_space<hbm>>
    tpu.enqueue_dma source(%dma_start3A_21 : memref<80xi32, #tpu.memory_space<hbm>>) target(%arg13 : memref<80xi32, #tpu.memory_space<vmem>>) target_semaphore(%arg20 : memref<!tpu.dma_semaphore, #tpu.memory_space<semaphore_mem>>)
    "tpu.region"() ({
      %run_scoped3A = tpu.sem_alloc : memref<!tpu.dma_semaphore, #tpu.memory_space<semaphore_mem>>
      %dma_start3A_39 = arith.constant 0 : i32
      %dma_start3A_40 = tpu.memref_slice %arg17[%mul3A_0, %dma_start3A_39] : memref<10240x128xf32, #tpu.memory_space<vmem_shared>> -> memref<640x128xf32, #tpu.memory_space<vmem_shared>>
      tpu.enqueue_dma source(%arg5 : memref<640x128xf32, #tpu.memory_space<hbm>>) target(%dma_start3A_40 : memref<640x128xf32, #tpu.memory_space<vmem_shared>>) target_semaphore(%run_scoped3A : memref<!tpu.dma_semaphore, #tpu.memory_space<semaphore_mem>>)
      %dma_wait3A_41 = arith.constant 0 : i32
      %dma_wait3A_42 = tpu.memref_slice %arg17[%mul3A_0, %dma_wait3A_41] : memref<10240x128xf32, #tpu.memory_space<vmem_shared>> -> memref<640x128xf32, #tpu.memory_space<vmem_shared>>
      tpu.wait_dma2 semaphore(%run_scoped3A : memref<!tpu.dma_semaphore, #tpu.memory_space<semaphore_mem>>) src(%arg5 : memref<640x128xf32, #tpu.memory_space<hbm>>) dst(%dma_wait3A_42 : memref<640x128xf32, #tpu.memory_space<vmem_shared>>)
      tpu.yield
    }) : () -> ()
    %barrier3A = arith.constant 0 : index
    tpu.barrier barrier_id(%barrier3A)
    %add3A_22 = arith.constant 0 : i32
    %add3A_23 = arith.addi %mul3A_4, %add3A_22 : i32
    %dma_wait3A = tpu.memref_slice %arg2[%add3A_23] : memref<320000xi32, #tpu.memory_space<hbm>> -> memref<80xi32, #tpu.memory_space<hbm>>
    %dma_wait3A_24 = tpu.memref_slice %arg2[%add3A_23] : memref<320000xi32, #tpu.memory_space<hbm>> -> memref<80xi32, #tpu.memory_space<hbm>>
    tpu.wait_dma2 semaphore(%arg18 : memref<!tpu.dma_semaphore, #tpu.memory_space<semaphore_mem>>) src(%dma_wait3A_24 : memref<80xi32, #tpu.memory_space<hbm>>) dst(%arg7 : memref<80xi32, #tpu.memory_space<vmem>>)
    %dma_wait3A_25 = tpu.memref_slice %arg3[%add3A_23] : memref<320000xi32, #tpu.memory_space<hbm>> -> memref<80xi32, #tpu.memory_space<hbm>>
    %dma_wait3A_26 = tpu.memref_slice %arg3[%add3A_23] : memref<320000xi32, #tpu.memory_space<hbm>> -> memref<80xi32, #tpu.memory_space<hbm>>
    tpu.wait_dma2 semaphore(%arg18 : memref<!tpu.dma_semaphore, #tpu.memory_space<semaphore_mem>>) src(%dma_wait3A_26 : memref<80xi32, #tpu.memory_space<hbm>>) dst(%arg11 : memref<80xi32, #tpu.memory_space<vmem>>)
    %dma_start3A_27 = arith.constant 0 : i32
    %dma_start3A_28 = arith.constant 0 : i32
    %dma_start3A_29 = tpu.memref_slice %arg4[%dma_start3A_27, %dma_start3A_28] : memref<10000x128xf32, #tpu.memory_space<hbm>> -> memref<10000x128xf32, #tpu.memory_space<hbm>>
    tpu.enqueue_indirect_dma source(%dma_start3A_29 : memref<10000x128xf32, #tpu.memory_space<hbm>>) target(%arg15 : memref<80x128xf32, #tpu.memory_space<vmem>>) offsets(%arg7 : memref<80xi32, #tpu.memory_space<vmem>>) semaphore(%arg22 : memref<!tpu.dma_semaphore, #tpu.memory_space<semaphore_mem>>)
    %scan3A = arith.constant 0 : i32
    %scan3A_30 = arith.constant 0 : i32
    %scan3A_31 = arith.constant 31 : i32
    %scan3A_32 = arith.addi %scan3A_30, %scan3A_31 : i32
    %scan3A_33 = arith.constant 1 : i32
    scf.for %scan3A_39 = %scan3A_30 to %scan3A_32 step %scan3A_33  : i32 {
      %mul3A_40 = arith.constant 4 : i32
      %mul3A_41 = arith.muli %scan3A_39, %mul3A_40 : i32
      %add3A_42 = arith.constant 0 : i32
      %add3A_43 = arith.addi %mul3A_41, %add3A_42 : i32
      %dma_wait3A_44 = arith.constant 0 : i32
      %dma_wait3A_45 = arith.constant 0 : i32
      %dma_wait3A_46 = tpu.memref_slice %arg4[%dma_wait3A_44, %dma_wait3A_45] : memref<10000x128xf32, #tpu.memory_space<hbm>> -> memref<10000x128xf32, #tpu.memory_space<hbm>>
      tpu.wait_indirect_dma semaphore(%arg22 : memref<!tpu.dma_semaphore, #tpu.memory_space<semaphore_mem>>) src(%dma_wait3A_46 : memref<10000x128xf32, #tpu.memory_space<hbm>>) dst(%arg15 : memref<80x128xf32, #tpu.memory_space<vmem>>)
      %add3A_47 = arith.constant 1 : i32
      %add3A_48 = arith.addi %add3A_43, %add3A_47 : i32
      %mul3A_49 = arith.constant 80 : i32
      %mul3A_50 = arith.muli %add3A_48, %mul3A_49 : i32
      %add3A_51 = arith.addi %mul3A_4, %mul3A_50 : i32
      %dma_wait3A_52 = tpu.memref_slice %arg2[%add3A_51] : memref<320000xi32, #tpu.memory_space<hbm>> -> memref<80xi32, #tpu.memory_space<hbm>>
      %dma_wait3A_53 = tpu.memref_slice %arg2[%add3A_51] : memref<320000xi32, #tpu.memory_space<hbm>> -> memref<80xi32, #tpu.memory_space<hbm>>
      tpu.wait_dma2 semaphore(%arg19 : memref<!tpu.dma_semaphore, #tpu.memory_space<semaphore_mem>>) src(%dma_wait3A_53 : memref<80xi32, #tpu.memory_space<hbm>>) dst(%arg8 : memref<80xi32, #tpu.memory_space<vmem>>)
      %dma_wait3A_54 = tpu.memref_slice %arg3[%add3A_51] : memref<320000xi32, #tpu.memory_space<hbm>> -> memref<80xi32, #tpu.memory_space<hbm>>
      %dma_wait3A_55 = tpu.memref_slice %arg3[%add3A_51] : memref<320000xi32, #tpu.memory_space<hbm>> -> memref<80xi32, #tpu.memory_space<hbm>>
      tpu.wait_dma2 semaphore(%arg19 : memref<!tpu.dma_semaphore, #tpu.memory_space<semaphore_mem>>) src(%dma_wait3A_55 : memref<80xi32, #tpu.memory_space<hbm>>) dst(%arg12 : memref<80xi32, #tpu.memory_space<vmem>>)
      %dma_start3A_56 = arith.constant 0 : i32
      %dma_start3A_57 = arith.constant 0 : i32
      %dma_start3A_58 = tpu.memref_slice %arg4[%dma_start3A_56, %dma_start3A_57] : memref<10000x128xf32, #tpu.memory_space<hbm>> -> memref<10000x128xf32, #tpu.memory_space<hbm>>
      tpu.enqueue_indirect_dma source(%dma_start3A_58 : memref<10000x128xf32, #tpu.memory_space<hbm>>) target(%arg16 : memref<80x128xf32, #tpu.memory_space<vmem>>) offsets(%arg8 : memref<80xi32, #tpu.memory_space<vmem>>) semaphore(%arg23 : memref<!tpu.dma_semaphore, #tpu.memory_space<semaphore_mem>>)
      %add3A_59 = arith.constant 3 : i32
      %add3A_60 = arith.addi %add3A_43, %add3A_59 : i32
      %lt3A = arith.constant 125 : i32
      %lt3A_61 = arith.cmpi slt, %add3A_60, %lt3A : i32
      %convert_element_type3A = arith.extui %lt3A_61 : i1 to i32
      %cond3A = arith.constant 0 : i32
      %cond3A_62 = arith.cmpi ne, %convert_element_type3A, %cond3A : i32
      scf.if %cond3A_62 {
        %add3A_141 = arith.constant 3 : i32
        %add3A_142 = arith.addi %add3A_43, %add3A_141 : i32
        %mul3A_143 = arith.constant 80 : i32
        %mul3A_144 = arith.muli %add3A_142, %mul3A_143 : i32
        %add3A_145 = arith.addi %mul3A_4, %mul3A_144 : i32
        %dma_start3A_146 = tpu.memref_slice %arg2[%add3A_145] : memref<320000xi32, #tpu.memory_space<hbm>> -> memref<80xi32, #tpu.memory_space<hbm>>
        %dma_start3A_147 = tpu.memref_slice %arg2[%add3A_145] : memref<320000xi32, #tpu.memory_space<hbm>> -> memref<80xi32, #tpu.memory_space<hbm>>
        tpu.enqueue_dma source(%dma_start3A_147 : memref<80xi32, #tpu.memory_space<hbm>>) target(%arg10 : memref<80xi32, #tpu.memory_space<vmem>>) target_semaphore(%arg21 : memref<!tpu.dma_semaphore, #tpu.memory_space<semaphore_mem>>)
        %dma_start3A_148 = tpu.memref_slice %arg3[%add3A_145] : memref<320000xi32, #tpu.memory_space<hbm>> -> memref<80xi32, #tpu.memory_space<hbm>>
        %dma_start3A_149 = tpu.memref_slice %arg3[%add3A_145] : memref<320000xi32, #tpu.memory_space<hbm>> -> memref<80xi32, #tpu.memory_space<hbm>>
        tpu.enqueue_dma source(%dma_start3A_149 : memref<80xi32, #tpu.memory_space<hbm>>) target(%arg14 : memref<80xi32, #tpu.memory_space<vmem>>) target_semaphore(%arg21 : memref<!tpu.dma_semaphore, #tpu.memory_space<semaphore_mem>>)
      } else {
      }
      "tpu.region"() ({
        %run_scoped3A = tpu.sem_alloc : memref<!tpu.dma_semaphore, #tpu.memory_space<semaphore_mem>>
        %dma_start3A_141 = arith.constant 0 : i32
        %dma_start3A_142 = arith.constant 0 : i32
        %dma_start3A_143 = tpu.memref_slice %arg17[%dma_start3A_141, %dma_start3A_142] : memref<10240x128xf32, #tpu.memory_space<vmem_shared>> -> memref<10240x128xf32, #tpu.memory_space<vmem_shared>>
        tpu.enqueue_indirect_dma source(%arg15 : memref<80x128xf32, #tpu.memory_space<vmem>>) target(%dma_start3A_143 : memref<10240x128xf32, #tpu.memory_space<vmem_shared>>) offsets(%arg11 : memref<80xi32, #tpu.memory_space<vmem>>) semaphore(%run_scoped3A : memref<!tpu.dma_semaphore, #tpu.memory_space<semaphore_mem>>) {add = true}
        %dma_wait3A_144 = arith.constant 0 : i32
        %dma_wait3A_145 = arith.constant 0 : i32
        %dma_wait3A_146 = tpu.memref_slice %arg17[%dma_wait3A_144, %dma_wait3A_145] : memref<10240x128xf32, #tpu.memory_space<vmem_shared>> -> memref<10240x128xf32, #tpu.memory_space<vmem_shared>>
        tpu.wait_indirect_dma semaphore(%run_scoped3A : memref<!tpu.dma_semaphore, #tpu.memory_space<semaphore_mem>>) src(%arg15 : memref<80x128xf32, #tpu.memory_space<vmem>>) dst(%dma_wait3A_146 : memref<10240x128xf32, #tpu.memory_space<vmem_shared>>)
        tpu.yield
      }) : () -> ()
      %mul3A_63 = arith.constant 4 : i32
      %mul3A_64 = arith.muli %scan3A_39, %mul3A_63 : i32
      %add3A_65 = arith.constant 1 : i32
      %add3A_66 = arith.addi %mul3A_64, %add3A_65 : i32
      %dma_wait3A_67 = arith.constant 0 : i32
      %dma_wait3A_68 = arith.constant 0 : i32
      %dma_wait3A_69 = tpu.memref_slice %arg4[%dma_wait3A_67, %dma_wait3A_68] : memref<10000x128xf32, #tpu.memory_space<hbm>> -> memref<10000x128xf32, #tpu.memory_space<hbm>>
      tpu.wait_indirect_dma semaphore(%arg23 : memref<!tpu.dma_semaphore, #tpu.memory_space<semaphore_mem>>) src(%dma_wait3A_69 : memref<10000x128xf32, #tpu.memory_space<hbm>>) dst(%arg16 : memref<80x128xf32, #tpu.memory_space<vmem>>)
      %add3A_70 = arith.constant 1 : i32
      %add3A_71 = arith.addi %add3A_66, %add3A_70 : i32
      %mul3A_72 = arith.constant 80 : i32
      %mul3A_73 = arith.muli %add3A_71, %mul3A_72 : i32
      %add3A_74 = arith.addi %mul3A_4, %mul3A_73 : i32
      %dma_wait3A_75 = tpu.memref_slice %arg2[%add3A_74] : memref<320000xi32, #tpu.memory_space<hbm>> -> memref<80xi32, #tpu.memory_space<hbm>>
      %dma_wait3A_76 = tpu.memref_slice %arg2[%add3A_74] : memref<320000xi32, #tpu.memory_space<hbm>> -> memref<80xi32, #tpu.memory_space<hbm>>
      tpu.wait_dma2 semaphore(%arg20 : memref<!tpu.dma_semaphore, #tpu.memory_space<semaphore_mem>>) src(%dma_wait3A_76 : memref<80xi32, #tpu.memory_space<hbm>>) dst(%arg9 : memref<80xi32, #tpu.memory_space<vmem>>)
      %dma_wait3A_77 = tpu.memref_slice %arg3[%add3A_74] : memref<320000xi32, #tpu.memory_space<hbm>> -> memref<80xi32, #tpu.memory_space<hbm>>
      %dma_wait3A_78 = tpu.memref_slice %arg3[%add3A_74] : memref<320000xi32, #tpu.memory_space<hbm>> -> memref<80xi32, #tpu.memory_space<hbm>>
      tpu.wait_dma2 semaphore(%arg20 : memref<!tpu.dma_semaphore, #tpu.memory_space<semaphore_mem>>) src(%dma_wait3A_78 : memref<80xi32, #tpu.memory_space<hbm>>) dst(%arg13 : memref<80xi32, #tpu.memory_space<vmem>>)
      %dma_start3A_79 = arith.constant 0 : i32
      %dma_start3A_80 = arith.constant 0 : i32
      %dma_start3A_81 = tpu.memref_slice %arg4[%dma_start3A_79, %dma_start3A_80] : memref<10000x128xf32, #tpu.memory_space<hbm>> -> memref<10000x128xf32, #tpu.memory_space<hbm>>
      tpu.enqueue_indirect_dma source(%dma_start3A_81 : memref<10000x128xf32, #tpu.memory_space<hbm>>) target(%arg15 : memref<80x128xf32, #tpu.memory_space<vmem>>) offsets(%arg9 : memref<80xi32, #tpu.memory_space<vmem>>) semaphore(%arg22 : memref<!tpu.dma_semaphore, #tpu.memory_space<semaphore_mem>>)
      %add3A_82 = arith.constant 3 : i32
      %add3A_83 = arith.addi %add3A_66, %add3A_82 : i32
      %lt3A_84 = arith.constant 125 : i32
      %lt3A_85 = arith.cmpi slt, %add3A_83, %lt3A_84 : i32
      %convert_element_type3A_86 = arith.extui %lt3A_85 : i1 to i32
      %cond3A_87 = arith.constant 0 : i32
      %cond3A_88 = arith.cmpi ne, %convert_element_type3A_86, %cond3A_87 : i32
      scf.if %cond3A_88 {
        %add3A_141 = arith.constant 3 : i32
        %add3A_142 = arith.addi %add3A_66, %add3A_141 : i32
        %mul3A_143 = arith.constant 80 : i32
        %mul3A_144 = arith.muli %add3A_142, %mul3A_143 : i32
        %add3A_145 = arith.addi %mul3A_4, %mul3A_144 : i32
        %dma_start3A_146 = tpu.memref_slice %arg2[%add3A_145] : memref<320000xi32, #tpu.memory_space<hbm>> -> memref<80xi32, #tpu.memory_space<hbm>>
        %dma_start3A_147 = tpu.memref_slice %arg2[%add3A_145] : memref<320000xi32, #tpu.memory_space<hbm>> -> memref<80xi32, #tpu.memory_space<hbm>>
        tpu.enqueue_dma source(%dma_start3A_147 : memref<80xi32, #tpu.memory_space<hbm>>) target(%arg7 : memref<80xi32, #tpu.memory_space<vmem>>) target_semaphore(%arg18 : memref<!tpu.dma_semaphore, #tpu.memory_space<semaphore_mem>>)
        %dma_start3A_148 = tpu.memref_slice %arg3[%add3A_145] : memref<320000xi32, #tpu.memory_space<hbm>> -> memref<80xi32, #tpu.memory_space<hbm>>
        %dma_start3A_149 = tpu.memref_slice %arg3[%add3A_145] : memref<320000xi32, #tpu.memory_space<hbm>> -> memref<80xi32, #tpu.memory_space<hbm>>
        tpu.enqueue_dma source(%dma_start3A_149 : memref<80xi32, #tpu.memory_space<hbm>>) target(%arg11 : memref<80xi32, #tpu.memory_space<vmem>>) target_semaphore(%arg18 : memref<!tpu.dma_semaphore, #tpu.memory_space<semaphore_mem>>)
      } else {
      }
      "tpu.region"() ({
        %run_scoped3A = tpu.sem_alloc : memref<!tpu.dma_semaphore, #tpu.memory_space<semaphore_mem>>
        %dma_start3A_141 = arith.constant 0 : i32
        %dma_start3A_142 = arith.constant 0 : i32
        %dma_start3A_143 = tpu.memref_slice %arg17[%dma_start3A_141, %dma_start3A_142] : memref<10240x128xf32, #tpu.memory_space<vmem_shared>> -> memref<10240x128xf32, #tpu.memory_space<vmem_shared>>
        tpu.enqueue_indirect_dma source(%arg16 : memref<80x128xf32, #tpu.memory_space<vmem>>) target(%dma_start3A_143 : memref<10240x128xf32, #tpu.memory_space<vmem_shared>>) offsets(%arg12 : memref<80xi32, #tpu.memory_space<vmem>>) semaphore(%run_scoped3A : memref<!tpu.dma_semaphore, #tpu.memory_space<semaphore_mem>>) {add = true}
        %dma_wait3A_144 = arith.constant 0 : i32
        %dma_wait3A_145 = arith.constant 0 : i32
        %dma_wait3A_146 = tpu.memref_slice %arg17[%dma_wait3A_144, %dma_wait3A_145] : memref<10240x128xf32, #tpu.memory_space<vmem_shared>> -> memref<10240x128xf32, #tpu.memory_space<vmem_shared>>
        tpu.wait_indirect_dma semaphore(%run_scoped3A : memref<!tpu.dma_semaphore, #tpu.memory_space<semaphore_mem>>) src(%arg16 : memref<80x128xf32, #tpu.memory_space<vmem>>) dst(%dma_wait3A_146 : memref<10240x128xf32, #tpu.memory_space<vmem_shared>>)
        tpu.yield
      }) : () -> ()
      %mul3A_89 = arith.constant 4 : i32
      %mul3A_90 = arith.muli %scan3A_39, %mul3A_89 : i32
      %add3A_91 = arith.constant 2 : i32
      %add3A_92 = arith.addi %mul3A_90, %add3A_91 : i32
      %dma_wait3A_93 = arith.constant 0 : i32
      %dma_wait3A_94 = arith.constant 0 : i32
      %dma_wait3A_95 = tpu.memref_slice %arg4[%dma_wait3A_93, %dma_wait3A_94] : memref<10000x128xf32, #tpu.memory_space<hbm>> -> memref<10000x128xf32, #tpu.memory_space<hbm>>
      tpu.wait_indirect_dma semaphore(%arg22 : memref<!tpu.dma_semaphore, #tpu.memory_space<semaphore_mem>>) src(%dma_wait3A_95 : memref<10000x128xf32, #tpu.memory_space<hbm>>) dst(%arg15 : memref<80x128xf32, #tpu.memory_space<vmem>>)
      %add3A_96 = arith.constant 1 : i32
      %add3A_97 = arith.addi %add3A_92, %add3A_96 : i32
      %mul3A_98 = arith.constant 80 : i32
      %mul3A_99 = arith.muli %add3A_97, %mul3A_98 : i32
      %add3A_100 = arith.addi %mul3A_4, %mul3A_99 : i32
      %dma_wait3A_101 = tpu.memref_slice %arg2[%add3A_100] : memref<320000xi32, #tpu.memory_space<hbm>> -> memref<80xi32, #tpu.memory_space<hbm>>
      %dma_wait3A_102 = tpu.memref_slice %arg2[%add3A_100] : memref<320000xi32, #tpu.memory_space<hbm>> -> memref<80xi32, #tpu.memory_space<hbm>>
      tpu.wait_dma2 semaphore(%arg21 : memref<!tpu.dma_semaphore, #tpu.memory_space<semaphore_mem>>) src(%dma_wait3A_102 : memref<80xi32, #tpu.memory_space<hbm>>) dst(%arg10 : memref<80xi32, #tpu.memory_space<vmem>>)
      %dma_wait3A_103 = tpu.memref_slice %arg3[%add3A_100] : memref<320000xi32, #tpu.memory_space<hbm>> -> memref<80xi32, #tpu.memory_space<hbm>>
      %dma_wait3A_104 = tpu.memref_slice %arg3[%add3A_100] : memref<320000xi32, #tpu.memory_space<hbm>> -> memref<80xi32, #tpu.memory_space<hbm>>
      tpu.wait_dma2 semaphore(%arg21 : memref<!tpu.dma_semaphore, #tpu.memory_space<semaphore_mem>>) src(%dma_wait3A_104 : memref<80xi32, #tpu.memory_space<hbm>>) dst(%arg14 : memref<80xi32, #tpu.memory_space<vmem>>)
      %dma_start3A_105 = arith.constant 0 : i32
      %dma_start3A_106 = arith.constant 0 : i32
      %dma_start3A_107 = tpu.memref_slice %arg4[%dma_start3A_105, %dma_start3A_106] : memref<10000x128xf32, #tpu.memory_space<hbm>> -> memref<10000x128xf32, #tpu.memory_space<hbm>>
      tpu.enqueue_indirect_dma source(%dma_start3A_107 : memref<10000x128xf32, #tpu.memory_space<hbm>>) target(%arg16 : memref<80x128xf32, #tpu.memory_space<vmem>>) offsets(%arg10 : memref<80xi32, #tpu.memory_space<vmem>>) semaphore(%arg23 : memref<!tpu.dma_semaphore, #tpu.memory_space<semaphore_mem>>)
      %add3A_108 = arith.constant 3 : i32
      %add3A_109 = arith.addi %add3A_92, %add3A_108 : i32
      %lt3A_110 = arith.constant 125 : i32
      %lt3A_111 = arith.cmpi slt, %add3A_109, %lt3A_110 : i32
      %convert_element_type3A_112 = arith.extui %lt3A_111 : i1 to i32
      %cond3A_113 = arith.constant 0 : i32
      %cond3A_114 = arith.cmpi ne, %convert_element_type3A_112, %cond3A_113 : i32
      scf.if %cond3A_114 {
        %add3A_141 = arith.constant 3 : i32
        %add3A_142 = arith.addi %add3A_92, %add3A_141 : i32
        %mul3A_143 = arith.constant 80 : i32
        %mul3A_144 = arith.muli %add3A_142, %mul3A_143 : i32
        %add3A_145 = arith.addi %mul3A_4, %mul3A_144 : i32
        %dma_start3A_146 = tpu.memref_slice %arg2[%add3A_145] : memref<320000xi32, #tpu.memory_space<hbm>> -> memref<80xi32, #tpu.memory_space<hbm>>
        %dma_start3A_147 = tpu.memref_slice %arg2[%add3A_145] : memref<320000xi32, #tpu.memory_space<hbm>> -> memref<80xi32, #tpu.memory_space<hbm>>
        tpu.enqueue_dma source(%dma_start3A_147 : memref<80xi32, #tpu.memory_space<hbm>>) target(%arg8 : memref<80xi32, #tpu.memory_space<vmem>>) target_semaphore(%arg19 : memref<!tpu.dma_semaphore, #tpu.memory_space<semaphore_mem>>)
        %dma_start3A_148 = tpu.memref_slice %arg3[%add3A_145] : memref<320000xi32, #tpu.memory_space<hbm>> -> memref<80xi32, #tpu.memory_space<hbm>>
        %dma_start3A_149 = tpu.memref_slice %arg3[%add3A_145] : memref<320000xi32, #tpu.memory_space<hbm>> -> memref<80xi32, #tpu.memory_space<hbm>>
        tpu.enqueue_dma source(%dma_start3A_149 : memref<80xi32, #tpu.memory_space<hbm>>) target(%arg12 : memref<80xi32, #tpu.memory_space<vmem>>) target_semaphore(%arg19 : memref<!tpu.dma_semaphore, #tpu.memory_space<semaphore_mem>>)
      } else {
      }
      "tpu.region"() ({
        %run_scoped3A = tpu.sem_alloc : memref<!tpu.dma_semaphore, #tpu.memory_space<semaphore_mem>>
        %dma_start3A_141 = arith.constant 0 : i32
        %dma_start3A_142 = arith.constant 0 : i32
        %dma_start3A_143 = tpu.memref_slice %arg17[%dma_start3A_141, %dma_start3A_142] : memref<10240x128xf32, #tpu.memory_space<vmem_shared>> -> memref<10240x128xf32, #tpu.memory_space<vmem_shared>>
        tpu.enqueue_indirect_dma source(%arg15 : memref<80x128xf32, #tpu.memory_space<vmem>>) target(%dma_start3A_143 : memref<10240x128xf32, #tpu.memory_space<vmem_shared>>) offsets(%arg13 : memref<80xi32, #tpu.memory_space<vmem>>) semaphore(%run_scoped3A : memref<!tpu.dma_semaphore, #tpu.memory_space<semaphore_mem>>) {add = true}
        %dma_wait3A_144 = arith.constant 0 : i32
        %dma_wait3A_145 = arith.constant 0 : i32
        %dma_wait3A_146 = tpu.memref_slice %arg17[%dma_wait3A_144, %dma_wait3A_145] : memref<10240x128xf32, #tpu.memory_space<vmem_shared>> -> memref<10240x128xf32, #tpu.memory_space<vmem_shared>>
        tpu.wait_indirect_dma semaphore(%run_scoped3A : memref<!tpu.dma_semaphore, #tpu.memory_space<semaphore_mem>>) src(%arg15 : memref<80x128xf32, #tpu.memory_space<vmem>>) dst(%dma_wait3A_146 : memref<10240x128xf32, #tpu.memory_space<vmem_shared>>)
        tpu.yield
      }) : () -> ()
      %mul3A_115 = arith.constant 4 : i32
      %mul3A_116 = arith.muli %scan3A_39, %mul3A_115 : i32
      %add3A_117 = arith.constant 3 : i32
      %add3A_118 = arith.addi %mul3A_116, %add3A_117 : i32
      %dma_wait3A_119 = arith.constant 0 : i32
      %dma_wait3A_120 = arith.constant 0 : i32
      %dma_wait3A_121 = tpu.memref_slice %arg4[%dma_wait3A_119, %dma_wait3A_120] : memref<10000x128xf32, #tpu.memory_space<hbm>> -> memref<10000x128xf32, #tpu.memory_space<hbm>>
      tpu.wait_indirect_dma semaphore(%arg23 : memref<!tpu.dma_semaphore, #tpu.memory_space<semaphore_mem>>) src(%dma_wait3A_121 : memref<10000x128xf32, #tpu.memory_space<hbm>>) dst(%arg16 : memref<80x128xf32, #tpu.memory_space<vmem>>)
      %add3A_122 = arith.constant 1 : i32
      %add3A_123 = arith.addi %add3A_118, %add3A_122 : i32
      %mul3A_124 = arith.constant 80 : i32
      %mul3A_125 = arith.muli %add3A_123, %mul3A_124 : i32
      %add3A_126 = arith.addi %mul3A_4, %mul3A_125 : i32
      %dma_wait3A_127 = tpu.memref_slice %arg2[%add3A_126] : memref<320000xi32, #tpu.memory_space<hbm>> -> memref<80xi32, #tpu.memory_space<hbm>>
      %dma_wait3A_128 = tpu.memref_slice %arg2[%add3A_126] : memref<320000xi32, #tpu.memory_space<hbm>> -> memref<80xi32, #tpu.memory_space<hbm>>
      tpu.wait_dma2 semaphore(%arg18 : memref<!tpu.dma_semaphore, #tpu.memory_space<semaphore_mem>>) src(%dma_wait3A_128 : memref<80xi32, #tpu.memory_space<hbm>>) dst(%arg7 : memref<80xi32, #tpu.memory_space<vmem>>)
      %dma_wait3A_129 = tpu.memref_slice %arg3[%add3A_126] : memref<320000xi32, #tpu.memory_space<hbm>> -> memref<80xi32, #tpu.memory_space<hbm>>
      %dma_wait3A_130 = tpu.memref_slice %arg3[%add3A_126] : memref<320000xi32, #tpu.memory_space<hbm>> -> memref<80xi32, #tpu.memory_space<hbm>>
      tpu.wait_dma2 semaphore(%arg18 : memref<!tpu.dma_semaphore, #tpu.memory_space<semaphore_mem>>) src(%dma_wait3A_130 : memref<80xi32, #tpu.memory_space<hbm>>) dst(%arg11 : memref<80xi32, #tpu.memory_space<vmem>>)
      %dma_start3A_131 = arith.constant 0 : i32
      %dma_start3A_132 = arith.constant 0 : i32
      %dma_start3A_133 = tpu.memref_slice %arg4[%dma_start3A_131, %dma_start3A_132] : memref<10000x128xf32, #tpu.memory_space<hbm>> -> memref<10000x128xf32, #tpu.memory_space<hbm>>
      tpu.enqueue_indirect_dma source(%dma_start3A_133 : memref<10000x128xf32, #tpu.memory_space<hbm>>) target(%arg15 : memref<80x128xf32, #tpu.memory_space<vmem>>) offsets(%arg7 : memref<80xi32, #tpu.memory_space<vmem>>) semaphore(%arg22 : memref<!tpu.dma_semaphore, #tpu.memory_space<semaphore_mem>>)
      %add3A_134 = arith.constant 3 : i32
      %add3A_135 = arith.addi %add3A_118, %add3A_134 : i32
      %lt3A_136 = arith.constant 125 : i32
      %lt3A_137 = arith.cmpi slt, %add3A_135, %lt3A_136 : i32
      %convert_element_type3A_138 = arith.extui %lt3A_137 : i1 to i32
      %cond3A_139 = arith.constant 0 : i32
      %cond3A_140 = arith.cmpi ne, %convert_element_type3A_138, %cond3A_139 : i32
      scf.if %cond3A_140 {
        %add3A_141 = arith.constant 3 : i32
        %add3A_142 = arith.addi %add3A_118, %add3A_141 : i32
        %mul3A_143 = arith.constant 80 : i32
        %mul3A_144 = arith.muli %add3A_142, %mul3A_143 : i32
        %add3A_145 = arith.addi %mul3A_4, %mul3A_144 : i32
        %dma_start3A_146 = tpu.memref_slice %arg2[%add3A_145] : memref<320000xi32, #tpu.memory_space<hbm>> -> memref<80xi32, #tpu.memory_space<hbm>>
        %dma_start3A_147 = tpu.memref_slice %arg2[%add3A_145] : memref<320000xi32, #tpu.memory_space<hbm>> -> memref<80xi32, #tpu.memory_space<hbm>>
        tpu.enqueue_dma source(%dma_start3A_147 : memref<80xi32, #tpu.memory_space<hbm>>) target(%arg9 : memref<80xi32, #tpu.memory_space<vmem>>) target_semaphore(%arg20 : memref<!tpu.dma_semaphore, #tpu.memory_space<semaphore_mem>>)
        %dma_start3A_148 = tpu.memref_slice %arg3[%add3A_145] : memref<320000xi32, #tpu.memory_space<hbm>> -> memref<80xi32, #tpu.memory_space<hbm>>
        %dma_start3A_149 = tpu.memref_slice %arg3[%add3A_145] : memref<320000xi32, #tpu.memory_space<hbm>> -> memref<80xi32, #tpu.memory_space<hbm>>
        tpu.enqueue_dma source(%dma_start3A_149 : memref<80xi32, #tpu.memory_space<hbm>>) target(%arg13 : memref<80xi32, #tpu.memory_space<vmem>>) target_semaphore(%arg20 : memref<!tpu.dma_semaphore, #tpu.memory_space<semaphore_mem>>)
      } else {
      }
      "tpu.region"() ({
        %run_scoped3A = tpu.sem_alloc : memref<!tpu.dma_semaphore, #tpu.memory_space<semaphore_mem>>
        %dma_start3A_141 = arith.constant 0 : i32
        %dma_start3A_142 = arith.constant 0 : i32
        %dma_start3A_143 = tpu.memref_slice %arg17[%dma_start3A_141, %dma_start3A_142] : memref<10240x128xf32, #tpu.memory_space<vmem_shared>> -> memref<10240x128xf32, #tpu.memory_space<vmem_shared>>
        tpu.enqueue_indirect_dma source(%arg16 : memref<80x128xf32, #tpu.memory_space<vmem>>) target(%dma_start3A_143 : memref<10240x128xf32, #tpu.memory_space<vmem_shared>>) offsets(%arg14 : memref<80xi32, #tpu.memory_space<vmem>>) semaphore(%run_scoped3A : memref<!tpu.dma_semaphore, #tpu.memory_space<semaphore_mem>>) {add = true}
        %dma_wait3A_144 = arith.constant 0 : i32
        %dma_wait3A_145 = arith.constant 0 : i32
        %dma_wait3A_146 = tpu.memref_slice %arg17[%dma_wait3A_144, %dma_wait3A_145] : memref<10240x128xf32, #tpu.memory_space<vmem_shared>> -> memref<10240x128xf32, #tpu.memory_space<vmem_shared>>
        tpu.wait_indirect_dma semaphore(%run_scoped3A : memref<!tpu.dma_semaphore, #tpu.memory_space<semaphore_mem>>) src(%arg16 : memref<80x128xf32, #tpu.memory_space<vmem>>) dst(%dma_wait3A_146 : memref<10240x128xf32, #tpu.memory_space<vmem_shared>>)
        tpu.yield
      }) : () -> ()
    }
    %scan3A_34 = arith.constant 31 : i32
    %dma_wait3A_35 = arith.constant 0 : i32
    %dma_wait3A_36 = arith.constant 0 : i32
    %dma_wait3A_37 = tpu.memref_slice %arg4[%dma_wait3A_35, %dma_wait3A_36] : memref<10000x128xf32, #tpu.memory_space<hbm>> -> memref<10000x128xf32, #tpu.memory_space<hbm>>
    tpu.wait_indirect_dma semaphore(%arg22 : memref<!tpu.dma_semaphore, #tpu.memory_space<semaphore_mem>>) src(%dma_wait3A_37 : memref<10000x128xf32, #tpu.memory_space<hbm>>) dst(%arg15 : memref<80x128xf32, #tpu.memory_space<vmem>>)
    "tpu.region"() ({
      %run_scoped3A = tpu.sem_alloc : memref<!tpu.dma_semaphore, #tpu.memory_space<semaphore_mem>>
      %dma_start3A_39 = arith.constant 0 : i32
      %dma_start3A_40 = arith.constant 0 : i32
      %dma_start3A_41 = tpu.memref_slice %arg17[%dma_start3A_39, %dma_start3A_40] : memref<10240x128xf32, #tpu.memory_space<vmem_shared>> -> memref<10240x128xf32, #tpu.memory_space<vmem_shared>>
      tpu.enqueue_indirect_dma source(%arg15 : memref<80x128xf32, #tpu.memory_space<vmem>>) target(%dma_start3A_41 : memref<10240x128xf32, #tpu.memory_space<vmem_shared>>) offsets(%arg11 : memref<80xi32, #tpu.memory_space<vmem>>) semaphore(%run_scoped3A : memref<!tpu.dma_semaphore, #tpu.memory_space<semaphore_mem>>) {add = true}
      %dma_wait3A_42 = arith.constant 0 : i32
      %dma_wait3A_43 = arith.constant 0 : i32
      %dma_wait3A_44 = tpu.memref_slice %arg17[%dma_wait3A_42, %dma_wait3A_43] : memref<10240x128xf32, #tpu.memory_space<vmem_shared>> -> memref<10240x128xf32, #tpu.memory_space<vmem_shared>>
      tpu.wait_indirect_dma semaphore(%run_scoped3A : memref<!tpu.dma_semaphore, #tpu.memory_space<semaphore_mem>>) src(%arg15 : memref<80x128xf32, #tpu.memory_space<vmem>>) dst(%dma_wait3A_44 : memref<10240x128xf32, #tpu.memory_space<vmem_shared>>)
      tpu.yield
    }) : () -> ()
    %barrier3A_38 = arith.constant 0 : index
    tpu.barrier barrier_id(%barrier3A_38)
    "tpu.region"() ({
      %run_scoped3A = tpu.sem_alloc : memref<!tpu.dma_semaphore, #tpu.memory_space<semaphore_mem>>
      %dma_start3A_39 = arith.constant 0 : i32
      %dma_start3A_40 = tpu.memref_slice %arg6[%arg0, %mul3A_0, %dma_start3A_39] : memref<2x10240x128xf32, #tpu.memory_space<hbm>> -> memref<1x640x128xf32, #tpu.memory_space<hbm>>
      %dma_start3A_41 = tpu.memref_squeeze %dma_start3A_40 : memref<1x640x128xf32, #tpu.memory_space<hbm>> -> memref<640x128xf32, #tpu.memory_space<hbm>>
      %dma_start3A_42 = arith.constant 0 : i32
      %dma_start3A_43 = tpu.memref_slice %arg17[%mul3A_0, %dma_start3A_42] : memref<10240x128xf32, #tpu.memory_space<vmem_shared>> -> memref<640x128xf32, #tpu.memory_space<vmem_shared>>
      tpu.enqueue_dma source(%dma_start3A_43 : memref<640x128xf32, #tpu.memory_space<vmem_shared>>) target(%dma_start3A_41 : memref<640x128xf32, #tpu.memory_space<hbm>>) target_semaphore(%run_scoped3A : memref<!tpu.dma_semaphore, #tpu.memory_space<semaphore_mem>>)
      %dma_wait3A_44 = arith.constant 0 : i32
      %dma_wait3A_45 = tpu.memref_slice %arg6[%arg0, %mul3A_0, %dma_wait3A_44] : memref<2x10240x128xf32, #tpu.memory_space<hbm>> -> memref<1x640x128xf32, #tpu.memory_space<hbm>>
      %dma_wait3A_46 = tpu.memref_squeeze %dma_wait3A_45 : memref<1x640x128xf32, #tpu.memory_space<hbm>> -> memref<640x128xf32, #tpu.memory_space<hbm>>
      %dma_wait3A_47 = arith.constant 0 : i32
      %dma_wait3A_48 = tpu.memref_slice %arg17[%mul3A_0, %dma_wait3A_47] : memref<10240x128xf32, #tpu.memory_space<vmem_shared>> -> memref<640x128xf32, #tpu.memory_space<vmem_shared>>
      tpu.wait_dma2 semaphore(%run_scoped3A : memref<!tpu.dma_semaphore, #tpu.memory_space<semaphore_mem>>) src(%dma_wait3A_48 : memref<640x128xf32, #tpu.memory_space<vmem_shared>>) dst(%dma_wait3A_46 : memref<640x128xf32, #tpu.memory_space<hbm>>)
      tpu.yield
    }) : () -> ()
    return
  }
}

#map = affine_map<(d0, d1) -> (0, 0, 0, 0)>
#map1 = affine_map<(d0, d1) -> (0)>
#map2 = affine_map<(d0, d1) -> (0, 0)>
module attributes {stable_mosaic.version = 14 : i64} {
  func.func @_deg(%arg0: i32, %arg1: i32, %arg2: memref<2x16x125x80xi32, #tpu.memory_space<hbm>>, %arg3: memref<640xf32, #tpu.memory_space<hbm>>, %arg4: memref<80xf32, #tpu.memory_space<hbm>>, %arg5: memref<2x10240xf32, #tpu.memory_space<hbm>>, %arg6: memref<125x80xi32, #tpu.memory_space<vmem>>, %arg7: memref<80xf32, #tpu.memory_space<vmem>>, %arg8: memref<640xf32, #tpu.memory_space<vmem>>, %arg9: memref<10240xf32, #tpu.memory_space<vmem_shared>>, %arg10: memref<!tpu.dma_semaphore, #tpu.memory_space<semaphore_mem>>) attributes {dimension_semantics = [#tpu.dimension_semantics<core_parallel>, #tpu.dimension_semantics<subcore_parallel>], iteration_bounds = array<i64: 2, 16>, scalar_prefetch = 0 : i64, scratch_operands = 5 : i64, tpu.core_type = #tpu.core_type<sc_vector_subcore>, window_params = [{transform_indices = #map}, {transform_indices = #map1}, {transform_indices = #map1}, {transform_indices = #map2}]} {
    %mul3A = arith.constant 640 : i32
    %mul3A_0 = arith.muli %arg1, %mul3A : i32
    "tpu.region"() ({
      %run_scoped3A = tpu.sem_alloc : memref<!tpu.dma_semaphore, #tpu.memory_space<semaphore_mem>>
      tpu.enqueue_dma source(%arg3 : memref<640xf32, #tpu.memory_space<hbm>>) target(%arg8 : memref<640xf32, #tpu.memory_space<vmem>>) target_semaphore(%run_scoped3A : memref<!tpu.dma_semaphore, #tpu.memory_space<semaphore_mem>>)
      tpu.wait_dma2 semaphore(%run_scoped3A : memref<!tpu.dma_semaphore, #tpu.memory_space<semaphore_mem>>) src(%arg3 : memref<640xf32, #tpu.memory_space<hbm>>) dst(%arg8 : memref<640xf32, #tpu.memory_space<vmem>>)
      tpu.yield
    }) : () -> ()
    "tpu.region"() ({
      %run_scoped3A = tpu.sem_alloc : memref<!tpu.dma_semaphore, #tpu.memory_space<semaphore_mem>>
      %dma_start3A = tpu.memref_slice %arg9[%mul3A_0] : memref<10240xf32, #tpu.memory_space<vmem_shared>> -> memref<640xf32, #tpu.memory_space<vmem_shared>>
      %dma_start3A_7 = tpu.memref_slice %arg9[%mul3A_0] : memref<10240xf32, #tpu.memory_space<vmem_shared>> -> memref<640xf32, #tpu.memory_space<vmem_shared>>
      tpu.enqueue_dma source(%arg8 : memref<640xf32, #tpu.memory_space<vmem>>) target(%dma_start3A_7 : memref<640xf32, #tpu.memory_space<vmem_shared>>) target_semaphore(%run_scoped3A : memref<!tpu.dma_semaphore, #tpu.memory_space<semaphore_mem>>)
      %dma_wait3A = tpu.memref_slice %arg9[%mul3A_0] : memref<10240xf32, #tpu.memory_space<vmem_shared>> -> memref<640xf32, #tpu.memory_space<vmem_shared>>
      %dma_wait3A_8 = tpu.memref_slice %arg9[%mul3A_0] : memref<10240xf32, #tpu.memory_space<vmem_shared>> -> memref<640xf32, #tpu.memory_space<vmem_shared>>
      tpu.wait_dma2 semaphore(%run_scoped3A : memref<!tpu.dma_semaphore, #tpu.memory_space<semaphore_mem>>) src(%arg8 : memref<640xf32, #tpu.memory_space<vmem>>) dst(%dma_wait3A_8 : memref<640xf32, #tpu.memory_space<vmem_shared>>)
      tpu.yield
    }) : () -> ()
    "tpu.region"() ({
      %run_scoped3A = tpu.sem_alloc : memref<!tpu.dma_semaphore, #tpu.memory_space<semaphore_mem>>
      tpu.enqueue_dma source(%arg4 : memref<80xf32, #tpu.memory_space<hbm>>) target(%arg7 : memref<80xf32, #tpu.memory_space<vmem>>) target_semaphore(%run_scoped3A : memref<!tpu.dma_semaphore, #tpu.memory_space<semaphore_mem>>)
      tpu.wait_dma2 semaphore(%run_scoped3A : memref<!tpu.dma_semaphore, #tpu.memory_space<semaphore_mem>>) src(%arg4 : memref<80xf32, #tpu.memory_space<hbm>>) dst(%arg7 : memref<80xf32, #tpu.memory_space<vmem>>)
      tpu.yield
    }) : () -> ()
    "tpu.region"() ({
      %run_scoped3A = tpu.sem_alloc : memref<!tpu.dma_semaphore, #tpu.memory_space<semaphore_mem>>
      %dma_start3A = arith.constant 0 : i32
      %dma_start3A_7 = arith.constant 0 : i32
      %dma_start3A_8 = tpu.memref_slice %arg2[%arg0, %arg1, %dma_start3A, %dma_start3A_7] : memref<2x16x125x80xi32, #tpu.memory_space<hbm>> -> memref<1x1x125x80xi32, #tpu.memory_space<hbm>>
      %dma_start3A_9 = tpu.memref_squeeze %dma_start3A_8 : memref<1x1x125x80xi32, #tpu.memory_space<hbm>> -> memref<125x80xi32, #tpu.memory_space<hbm>>
      %dma_start3A_10 = arith.constant 0 : i32
      %dma_start3A_11 = arith.constant 0 : i32
      %dma_start3A_12 = tpu.memref_slice %arg2[%arg0, %arg1, %dma_start3A_10, %dma_start3A_11] : memref<2x16x125x80xi32, #tpu.memory_space<hbm>> -> memref<1x1x125x80xi32, #tpu.memory_space<hbm>>
      %dma_start3A_13 = tpu.memref_squeeze %dma_start3A_12 : memref<1x1x125x80xi32, #tpu.memory_space<hbm>> -> memref<125x80xi32, #tpu.memory_space<hbm>>
      tpu.enqueue_dma source(%dma_start3A_13 : memref<125x80xi32, #tpu.memory_space<hbm>>) target(%arg6 : memref<125x80xi32, #tpu.memory_space<vmem>>) target_semaphore(%run_scoped3A : memref<!tpu.dma_semaphore, #tpu.memory_space<semaphore_mem>>)
      %dma_wait3A = arith.constant 0 : i32
      %dma_wait3A_14 = arith.constant 0 : i32
      %dma_wait3A_15 = tpu.memref_slice %arg2[%arg0, %arg1, %dma_wait3A, %dma_wait3A_14] : memref<2x16x125x80xi32, #tpu.memory_space<hbm>> -> memref<1x1x125x80xi32, #tpu.memory_space<hbm>>
      %dma_wait3A_16 = tpu.memref_squeeze %dma_wait3A_15 : memref<1x1x125x80xi32, #tpu.memory_space<hbm>> -> memref<125x80xi32, #tpu.memory_space<hbm>>
      %dma_wait3A_17 = arith.constant 0 : i32
      %dma_wait3A_18 = arith.constant 0 : i32
      %dma_wait3A_19 = tpu.memref_slice %arg2[%arg0, %arg1, %dma_wait3A_17, %dma_wait3A_18] : memref<2x16x125x80xi32, #tpu.memory_space<hbm>> -> memref<1x1x125x80xi32, #tpu.memory_space<hbm>>
      %dma_wait3A_20 = tpu.memref_squeeze %dma_wait3A_19 : memref<1x1x125x80xi32, #tpu.memory_space<hbm>> -> memref<125x80xi32, #tpu.memory_space<hbm>>
      tpu.wait_dma2 semaphore(%run_scoped3A : memref<!tpu.dma_semaphore, #tpu.memory_space<semaphore_mem>>) src(%dma_wait3A_20 : memref<125x80xi32, #tpu.memory_space<hbm>>) dst(%arg6 : memref<125x80xi32, #tpu.memory_space<vmem>>)
      tpu.yield
    }) : () -> ()
    %barrier3A = arith.constant 0 : index
    tpu.barrier barrier_id(%barrier3A)
    %scan3A = arith.constant 0 : i32
    %scan3A_1 = arith.constant 0 : i32
    %scan3A_2 = arith.constant 25 : i32
    %scan3A_3 = arith.addi %scan3A_1, %scan3A_2 : i32
    %scan3A_4 = arith.constant 1 : i32
    scf.for %scan3A_7 = %scan3A_1 to %scan3A_3 step %scan3A_4  : i32 {
      %mul3A_8 = arith.constant 5 : i32
      %mul3A_9 = arith.muli %scan3A_7, %mul3A_8 : i32
      %add3A = arith.constant 0 : i32
      %add3A_10 = arith.addi %mul3A_9, %add3A : i32
      %dma_start3A = arith.constant 0 : i32
      %dma_start3A_11 = tpu.memref_slice %arg6[%add3A_10, %dma_start3A] : memref<125x80xi32, #tpu.memory_space<vmem>> -> memref<1x80xi32, #tpu.memory_space<vmem>>
      %dma_start3A_12 = tpu.memref_squeeze %dma_start3A_11 : memref<1x80xi32, #tpu.memory_space<vmem>> -> memref<80xi32, #tpu.memory_space<vmem>>
      %dma_start3A_13 = arith.constant 0 : i32
      %dma_start3A_14 = tpu.memref_slice %arg9[%dma_start3A_13] : memref<10240xf32, #tpu.memory_space<vmem_shared>> -> memref<10240xf32, #tpu.memory_space<vmem_shared>>
      tpu.enqueue_indirect_dma source(%arg7 : memref<80xf32, #tpu.memory_space<vmem>>) target(%dma_start3A_14 : memref<10240xf32, #tpu.memory_space<vmem_shared>>) offsets(%dma_start3A_12 : memref<80xi32, #tpu.memory_space<vmem>>) semaphore(%arg10 : memref<!tpu.dma_semaphore, #tpu.memory_space<semaphore_mem>>) {add = true}
      %mul3A_15 = arith.constant 5 : i32
      %mul3A_16 = arith.muli %scan3A_7, %mul3A_15 : i32
      %add3A_17 = arith.constant 1 : i32
      %add3A_18 = arith.addi %mul3A_16, %add3A_17 : i32
      %dma_start3A_19 = arith.constant 0 : i32
      %dma_start3A_20 = tpu.memref_slice %arg6[%add3A_18, %dma_start3A_19] : memref<125x80xi32, #tpu.memory_space<vmem>> -> memref<1x80xi32, #tpu.memory_space<vmem>>
      %dma_start3A_21 = tpu.memref_squeeze %dma_start3A_20 : memref<1x80xi32, #tpu.memory_space<vmem>> -> memref<80xi32, #tpu.memory_space<vmem>>
      %dma_start3A_22 = arith.constant 0 : i32
      %dma_start3A_23 = tpu.memref_slice %arg9[%dma_start3A_22] : memref<10240xf32, #tpu.memory_space<vmem_shared>> -> memref<10240xf32, #tpu.memory_space<vmem_shared>>
      tpu.enqueue_indirect_dma source(%arg7 : memref<80xf32, #tpu.memory_space<vmem>>) target(%dma_start3A_23 : memref<10240xf32, #tpu.memory_space<vmem_shared>>) offsets(%dma_start3A_21 : memref<80xi32, #tpu.memory_space<vmem>>) semaphore(%arg10 : memref<!tpu.dma_semaphore, #tpu.memory_space<semaphore_mem>>) {add = true}
      %mul3A_24 = arith.constant 5 : i32
      %mul3A_25 = arith.muli %scan3A_7, %mul3A_24 : i32
      %add3A_26 = arith.constant 2 : i32
      %add3A_27 = arith.addi %mul3A_25, %add3A_26 : i32
      %dma_start3A_28 = arith.constant 0 : i32
      %dma_start3A_29 = tpu.memref_slice %arg6[%add3A_27, %dma_start3A_28] : memref<125x80xi32, #tpu.memory_space<vmem>> -> memref<1x80xi32, #tpu.memory_space<vmem>>
      %dma_start3A_30 = tpu.memref_squeeze %dma_start3A_29 : memref<1x80xi32, #tpu.memory_space<vmem>> -> memref<80xi32, #tpu.memory_space<vmem>>
      %dma_start3A_31 = arith.constant 0 : i32
      %dma_start3A_32 = tpu.memref_slice %arg9[%dma_start3A_31] : memref<10240xf32, #tpu.memory_space<vmem_shared>> -> memref<10240xf32, #tpu.memory_space<vmem_shared>>
      tpu.enqueue_indirect_dma source(%arg7 : memref<80xf32, #tpu.memory_space<vmem>>) target(%dma_start3A_32 : memref<10240xf32, #tpu.memory_space<vmem_shared>>) offsets(%dma_start3A_30 : memref<80xi32, #tpu.memory_space<vmem>>) semaphore(%arg10 : memref<!tpu.dma_semaphore, #tpu.memory_space<semaphore_mem>>) {add = true}
      %mul3A_33 = arith.constant 5 : i32
      %mul3A_34 = arith.muli %scan3A_7, %mul3A_33 : i32
      %add3A_35 = arith.constant 3 : i32
      %add3A_36 = arith.addi %mul3A_34, %add3A_35 : i32
      %dma_start3A_37 = arith.constant 0 : i32
      %dma_start3A_38 = tpu.memref_slice %arg6[%add3A_36, %dma_start3A_37] : memref<125x80xi32, #tpu.memory_space<vmem>> -> memref<1x80xi32, #tpu.memory_space<vmem>>
      %dma_start3A_39 = tpu.memref_squeeze %dma_start3A_38 : memref<1x80xi32, #tpu.memory_space<vmem>> -> memref<80xi32, #tpu.memory_space<vmem>>
      %dma_start3A_40 = arith.constant 0 : i32
      %dma_start3A_41 = tpu.memref_slice %arg9[%dma_start3A_40] : memref<10240xf32, #tpu.memory_space<vmem_shared>> -> memref<10240xf32, #tpu.memory_space<vmem_shared>>
      tpu.enqueue_indirect_dma source(%arg7 : memref<80xf32, #tpu.memory_space<vmem>>) target(%dma_start3A_41 : memref<10240xf32, #tpu.memory_space<vmem_shared>>) offsets(%dma_start3A_39 : memref<80xi32, #tpu.memory_space<vmem>>) semaphore(%arg10 : memref<!tpu.dma_semaphore, #tpu.memory_space<semaphore_mem>>) {add = true}
      %mul3A_42 = arith.constant 5 : i32
      %mul3A_43 = arith.muli %scan3A_7, %mul3A_42 : i32
      %add3A_44 = arith.constant 4 : i32
      %add3A_45 = arith.addi %mul3A_43, %add3A_44 : i32
      %dma_start3A_46 = arith.constant 0 : i32
      %dma_start3A_47 = tpu.memref_slice %arg6[%add3A_45, %dma_start3A_46] : memref<125x80xi32, #tpu.memory_space<vmem>> -> memref<1x80xi32, #tpu.memory_space<vmem>>
      %dma_start3A_48 = tpu.memref_squeeze %dma_start3A_47 : memref<1x80xi32, #tpu.memory_space<vmem>> -> memref<80xi32, #tpu.memory_space<vmem>>
      %dma_start3A_49 = arith.constant 0 : i32
      %dma_start3A_50 = tpu.memref_slice %arg9[%dma_start3A_49] : memref<10240xf32, #tpu.memory_space<vmem_shared>> -> memref<10240xf32, #tpu.memory_space<vmem_shared>>
      tpu.enqueue_indirect_dma source(%arg7 : memref<80xf32, #tpu.memory_space<vmem>>) target(%dma_start3A_50 : memref<10240xf32, #tpu.memory_space<vmem_shared>>) offsets(%dma_start3A_48 : memref<80xi32, #tpu.memory_space<vmem>>) semaphore(%arg10 : memref<!tpu.dma_semaphore, #tpu.memory_space<semaphore_mem>>) {add = true}
      %mul3A_51 = arith.constant 5 : i32
      %mul3A_52 = arith.muli %scan3A_7, %mul3A_51 : i32
      %add3A_53 = arith.constant 0 : i32
      %add3A_54 = arith.addi %mul3A_52, %add3A_53 : i32
      %dma_wait3A = arith.constant 0 : i32
      %dma_wait3A_55 = tpu.memref_slice %arg6[%add3A_54, %dma_wait3A] : memref<125x80xi32, #tpu.memory_space<vmem>> -> memref<1x80xi32, #tpu.memory_space<vmem>>
      %dma_wait3A_56 = tpu.memref_squeeze %dma_wait3A_55 : memref<1x80xi32, #tpu.memory_space<vmem>> -> memref<80xi32, #tpu.memory_space<vmem>>
      %dma_wait3A_57 = arith.constant 0 : i32
      %dma_wait3A_58 = tpu.memref_slice %arg9[%dma_wait3A_57] : memref<10240xf32, #tpu.memory_space<vmem_shared>> -> memref<10240xf32, #tpu.memory_space<vmem_shared>>
      tpu.wait_indirect_dma semaphore(%arg10 : memref<!tpu.dma_semaphore, #tpu.memory_space<semaphore_mem>>) src(%arg7 : memref<80xf32, #tpu.memory_space<vmem>>) dst(%dma_wait3A_58 : memref<10240xf32, #tpu.memory_space<vmem_shared>>)
      %mul3A_59 = arith.constant 5 : i32
      %mul3A_60 = arith.muli %scan3A_7, %mul3A_59 : i32
      %add3A_61 = arith.constant 1 : i32
      %add3A_62 = arith.addi %mul3A_60, %add3A_61 : i32
      %dma_wait3A_63 = arith.constant 0 : i32
      %dma_wait3A_64 = tpu.memref_slice %arg6[%add3A_62, %dma_wait3A_63] : memref<125x80xi32, #tpu.memory_space<vmem>> -> memref<1x80xi32, #tpu.memory_space<vmem>>
      %dma_wait3A_65 = tpu.memref_squeeze %dma_wait3A_64 : memref<1x80xi32, #tpu.memory_space<vmem>> -> memref<80xi32, #tpu.memory_space<vmem>>
      %dma_wait3A_66 = arith.constant 0 : i32
      %dma_wait3A_67 = tpu.memref_slice %arg9[%dma_wait3A_66] : memref<10240xf32, #tpu.memory_space<vmem_shared>> -> memref<10240xf32, #tpu.memory_space<vmem_shared>>
      tpu.wait_indirect_dma semaphore(%arg10 : memref<!tpu.dma_semaphore, #tpu.memory_space<semaphore_mem>>) src(%arg7 : memref<80xf32, #tpu.memory_space<vmem>>) dst(%dma_wait3A_67 : memref<10240xf32, #tpu.memory_space<vmem_shared>>)
      %mul3A_68 = arith.constant 5 : i32
      %mul3A_69 = arith.muli %scan3A_7, %mul3A_68 : i32
      %add3A_70 = arith.constant 2 : i32
      %add3A_71 = arith.addi %mul3A_69, %add3A_70 : i32
      %dma_wait3A_72 = arith.constant 0 : i32
      %dma_wait3A_73 = tpu.memref_slice %arg6[%add3A_71, %dma_wait3A_72] : memref<125x80xi32, #tpu.memory_space<vmem>> -> memref<1x80xi32, #tpu.memory_space<vmem>>
      %dma_wait3A_74 = tpu.memref_squeeze %dma_wait3A_73 : memref<1x80xi32, #tpu.memory_space<vmem>> -> memref<80xi32, #tpu.memory_space<vmem>>
      %dma_wait3A_75 = arith.constant 0 : i32
      %dma_wait3A_76 = tpu.memref_slice %arg9[%dma_wait3A_75] : memref<10240xf32, #tpu.memory_space<vmem_shared>> -> memref<10240xf32, #tpu.memory_space<vmem_shared>>
      tpu.wait_indirect_dma semaphore(%arg10 : memref<!tpu.dma_semaphore, #tpu.memory_space<semaphore_mem>>) src(%arg7 : memref<80xf32, #tpu.memory_space<vmem>>) dst(%dma_wait3A_76 : memref<10240xf32, #tpu.memory_space<vmem_shared>>)
      %mul3A_77 = arith.constant 5 : i32
      %mul3A_78 = arith.muli %scan3A_7, %mul3A_77 : i32
      %add3A_79 = arith.constant 3 : i32
      %add3A_80 = arith.addi %mul3A_78, %add3A_79 : i32
      %dma_wait3A_81 = arith.constant 0 : i32
      %dma_wait3A_82 = tpu.memref_slice %arg6[%add3A_80, %dma_wait3A_81] : memref<125x80xi32, #tpu.memory_space<vmem>> -> memref<1x80xi32, #tpu.memory_space<vmem>>
      %dma_wait3A_83 = tpu.memref_squeeze %dma_wait3A_82 : memref<1x80xi32, #tpu.memory_space<vmem>> -> memref<80xi32, #tpu.memory_space<vmem>>
      %dma_wait3A_84 = arith.constant 0 : i32
      %dma_wait3A_85 = tpu.memref_slice %arg9[%dma_wait3A_84] : memref<10240xf32, #tpu.memory_space<vmem_shared>> -> memref<10240xf32, #tpu.memory_space<vmem_shared>>
      tpu.wait_indirect_dma semaphore(%arg10 : memref<!tpu.dma_semaphore, #tpu.memory_space<semaphore_mem>>) src(%arg7 : memref<80xf32, #tpu.memory_space<vmem>>) dst(%dma_wait3A_85 : memref<10240xf32, #tpu.memory_space<vmem_shared>>)
      %mul3A_86 = arith.constant 5 : i32
      %mul3A_87 = arith.muli %scan3A_7, %mul3A_86 : i32
      %add3A_88 = arith.constant 4 : i32
      %add3A_89 = arith.addi %mul3A_87, %add3A_88 : i32
      %dma_wait3A_90 = arith.constant 0 : i32
      %dma_wait3A_91 = tpu.memref_slice %arg6[%add3A_89, %dma_wait3A_90] : memref<125x80xi32, #tpu.memory_space<vmem>> -> memref<1x80xi32, #tpu.memory_space<vmem>>
      %dma_wait3A_92 = tpu.memref_squeeze %dma_wait3A_91 : memref<1x80xi32, #tpu.memory_space<vmem>> -> memref<80xi32, #tpu.memory_space<vmem>>
      %dma_wait3A_93 = arith.constant 0 : i32
      %dma_wait3A_94 = tpu.memref_slice %arg9[%dma_wait3A_93] : memref<10240xf32, #tpu.memory_space<vmem_shared>> -> memref<10240xf32, #tpu.memory_space<vmem_shared>>
      tpu.wait_indirect_dma semaphore(%arg10 : memref<!tpu.dma_semaphore, #tpu.memory_space<semaphore_mem>>) src(%arg7 : memref<80xf32, #tpu.memory_space<vmem>>) dst(%dma_wait3A_94 : memref<10240xf32, #tpu.memory_space<vmem_shared>>)
    }
    %scan3A_5 = arith.constant 25 : i32
    %barrier3A_6 = arith.constant 0 : index
    tpu.barrier barrier_id(%barrier3A_6)
    "tpu.region"() ({
      %run_scoped3A = tpu.sem_alloc : memref<!tpu.dma_semaphore, #tpu.memory_space<semaphore_mem>>
      %dma_start3A = tpu.memref_slice %arg9[%mul3A_0] : memref<10240xf32, #tpu.memory_space<vmem_shared>> -> memref<640xf32, #tpu.memory_space<vmem_shared>>
      %dma_start3A_7 = tpu.memref_slice %arg9[%mul3A_0] : memref<10240xf32, #tpu.memory_space<vmem_shared>> -> memref<640xf32, #tpu.memory_space<vmem_shared>>
      tpu.enqueue_dma source(%dma_start3A_7 : memref<640xf32, #tpu.memory_space<vmem_shared>>) target(%arg8 : memref<640xf32, #tpu.memory_space<vmem>>) target_semaphore(%run_scoped3A : memref<!tpu.dma_semaphore, #tpu.memory_space<semaphore_mem>>)
      %dma_wait3A = tpu.memref_slice %arg9[%mul3A_0] : memref<10240xf32, #tpu.memory_space<vmem_shared>> -> memref<640xf32, #tpu.memory_space<vmem_shared>>
      %dma_wait3A_8 = tpu.memref_slice %arg9[%mul3A_0] : memref<10240xf32, #tpu.memory_space<vmem_shared>> -> memref<640xf32, #tpu.memory_space<vmem_shared>>
      tpu.wait_dma2 semaphore(%run_scoped3A : memref<!tpu.dma_semaphore, #tpu.memory_space<semaphore_mem>>) src(%dma_wait3A_8 : memref<640xf32, #tpu.memory_space<vmem_shared>>) dst(%arg8 : memref<640xf32, #tpu.memory_space<vmem>>)
      tpu.yield
    }) : () -> ()
    "tpu.region"() ({
      %run_scoped3A = tpu.sem_alloc : memref<!tpu.dma_semaphore, #tpu.memory_space<semaphore_mem>>
      %dma_start3A = tpu.memref_slice %arg5[%arg0, %mul3A_0] : memref<2x10240xf32, #tpu.memory_space<hbm>> -> memref<1x640xf32, #tpu.memory_space<hbm>>
      %dma_start3A_7 = tpu.memref_squeeze %dma_start3A : memref<1x640xf32, #tpu.memory_space<hbm>> -> memref<640xf32, #tpu.memory_space<hbm>>
      %dma_start3A_8 = tpu.memref_slice %arg5[%arg0, %mul3A_0] : memref<2x10240xf32, #tpu.memory_space<hbm>> -> memref<1x640xf32, #tpu.memory_space<hbm>>
      %dma_start3A_9 = tpu.memref_squeeze %dma_start3A_8 : memref<1x640xf32, #tpu.memory_space<hbm>> -> memref<640xf32, #tpu.memory_space<hbm>>
      tpu.enqueue_dma source(%arg8 : memref<640xf32, #tpu.memory_space<vmem>>) target(%dma_start3A_9 : memref<640xf32, #tpu.memory_space<hbm>>) target_semaphore(%run_scoped3A : memref<!tpu.dma_semaphore, #tpu.memory_space<semaphore_mem>>)
      %dma_wait3A = tpu.memref_slice %arg5[%arg0, %mul3A_0] : memref<2x10240xf32, #tpu.memory_space<hbm>> -> memref<1x640xf32, #tpu.memory_space<hbm>>
      %dma_wait3A_10 = tpu.memref_squeeze %dma_wait3A : memref<1x640xf32, #tpu.memory_space<hbm>> -> memref<640xf32, #tpu.memory_space<hbm>>
      %dma_wait3A_11 = tpu.memref_slice %arg5[%arg0, %mul3A_0] : memref<2x10240xf32, #tpu.memory_space<hbm>> -> memref<1x640xf32, #tpu.memory_space<hbm>>
      %dma_wait3A_12 = tpu.memref_squeeze %dma_wait3A_11 : memref<1x640xf32, #tpu.memory_space<hbm>> -> memref<640xf32, #tpu.memory_space<hbm>>
      tpu.wait_dma2 semaphore(%run_scoped3A : memref<!tpu.dma_semaphore, #tpu.memory_space<semaphore_mem>>) src(%arg8 : memref<640xf32, #tpu.memory_space<vmem>>) dst(%dma_wait3A_12 : memref<640xf32, #tpu.memory_space<hbm>>)
      tpu.yield
    }) : () -> ()
    return
  }
}

#map = affine_map<(d0, d1) -> (0)>
#map1 = affine_map<(d0, d1) -> (0, 0)>
#map2 = affine_map<(d0, d1) -> (0, 0, 0)>
module attributes {stable_mosaic.version = 14 : i64} {
  func.func @_gather_scatter(%arg0: i32, %arg1: i32, %arg2: memref<320000xi32, #tpu.memory_space<hbm>>, %arg3: memref<320000xi32, #tpu.memory_space<hbm>>, %arg4: memref<10000x128xf32, #tpu.memory_space<hbm>>, %arg5: memref<640x128xf32, #tpu.memory_space<hbm>>, %arg6: memref<2x10240x128xf32, #tpu.memory_space<hbm>>, %arg7: memref<80xi32, #tpu.memory_space<vmem>>, %arg8: memref<80xi32, #tpu.memory_space<vmem>>, %arg9: memref<80xi32, #tpu.memory_space<vmem>>, %arg10: memref<80xi32, #tpu.memory_space<vmem>>, %arg11: memref<80xi32, #tpu.memory_space<vmem>>, %arg12: memref<80xi32, #tpu.memory_space<vmem>>, %arg13: memref<80xi32, #tpu.memory_space<vmem>>, %arg14: memref<80xi32, #tpu.memory_space<vmem>>, %arg15: memref<80x128xf32, #tpu.memory_space<vmem>>, %arg16: memref<80x128xf32, #tpu.memory_space<vmem>>, %arg17: memref<10240x128xf32, #tpu.memory_space<vmem_shared>>, %arg18: memref<!tpu.dma_semaphore, #tpu.memory_space<semaphore_mem>>, %arg19: memref<!tpu.dma_semaphore, #tpu.memory_space<semaphore_mem>>, %arg20: memref<!tpu.dma_semaphore, #tpu.memory_space<semaphore_mem>>, %arg21: memref<!tpu.dma_semaphore, #tpu.memory_space<semaphore_mem>>, %arg22: memref<!tpu.dma_semaphore, #tpu.memory_space<semaphore_mem>>, %arg23: memref<!tpu.dma_semaphore, #tpu.memory_space<semaphore_mem>>) attributes {dimension_semantics = [#tpu.dimension_semantics<core_parallel>, #tpu.dimension_semantics<subcore_parallel>], iteration_bounds = array<i64: 2, 16>, scalar_prefetch = 0 : i64, scratch_operands = 17 : i64, tpu.core_type = #tpu.core_type<sc_vector_subcore>, window_params = [{transform_indices = #map}, {transform_indices = #map}, {transform_indices = #map1}, {transform_indices = #map1}, {transform_indices = #map2}]} {
    %mul3A = arith.constant 640 : i32
    %mul3A_0 = arith.muli %arg1, %mul3A : i32
    %mul3A_1 = arith.constant 2 : i32
    %mul3A_2 = arith.muli %arg1, %mul3A_1 : i32
    %add3A = arith.addi %mul3A_2, %arg0 : i32
    %mul3A_3 = arith.constant 10000 : i32
    %mul3A_4 = arith.muli %add3A, %mul3A_3 : i32
    %add3A_5 = arith.constant 0 : i32
    %add3A_6 = arith.addi %mul3A_4, %add3A_5 : i32
    %dma_start3A = tpu.memref_slice %arg2[%add3A_6] : memref<320000xi32, #tpu.memory_space<hbm>> -> memref<80xi32, #tpu.memory_space<hbm>>
    %dma_start3A_7 = tpu.memref_slice %arg2[%add3A_6] : memref<320000xi32, #tpu.memory_space<hbm>> -> memref<80xi32, #tpu.memory_space<hbm>>
    tpu.enqueue_dma source(%dma_start3A_7 : memref<80xi32, #tpu.memory_space<hbm>>) target(%arg7 : memref<80xi32, #tpu.memory_space<vmem>>) target_semaphore(%arg18 : memref<!tpu.dma_semaphore, #tpu.memory_space<semaphore_mem>>)
    %dma_start3A_8 = tpu.memref_slice %arg3[%add3A_6] : memref<320000xi32, #tpu.memory_space<hbm>> -> memref<80xi32, #tpu.memory_space<hbm>>
    %dma_start3A_9 = tpu.memref_slice %arg3[%add3A_6] : memref<320000xi32, #tpu.memory_space<hbm>> -> memref<80xi32, #tpu.memory_space<hbm>>
    tpu.enqueue_dma source(%dma_start3A_9 : memref<80xi32, #tpu.memory_space<hbm>>) target(%arg11 : memref<80xi32, #tpu.memory_space<vmem>>) target_semaphore(%arg18 : memref<!tpu.dma_semaphore, #tpu.memory_space<semaphore_mem>>)
    %add3A_10 = arith.constant 80 : i32
    %add3A_11 = arith.addi %mul3A_4, %add3A_10 : i32
    %dma_start3A_12 = tpu.memref_slice %arg2[%add3A_11] : memref<320000xi32, #tpu.memory_space<hbm>> -> memref<80xi32, #tpu.memory_space<hbm>>
    %dma_start3A_13 = tpu.memref_slice %arg2[%add3A_11] : memref<320000xi32, #tpu.memory_space<hbm>> -> memref<80xi32, #tpu.memory_space<hbm>>
    tpu.enqueue_dma source(%dma_start3A_13 : memref<80xi32, #tpu.memory_space<hbm>>) target(%arg8 : memref<80xi32, #tpu.memory_space<vmem>>) target_semaphore(%arg19 : memref<!tpu.dma_semaphore, #tpu.memory_space<semaphore_mem>>)
    %dma_start3A_14 = tpu.memref_slice %arg3[%add3A_11] : memref<320000xi32, #tpu.memory_space<hbm>> -> memref<80xi32, #tpu.memory_space<hbm>>
    %dma_start3A_15 = tpu.memref_slice %arg3[%add3A_11] : memref<320000xi32, #tpu.memory_space<hbm>> -> memref<80xi32, #tpu.memory_space<hbm>>
    tpu.enqueue_dma source(%dma_start3A_15 : memref<80xi32, #tpu.memory_space<hbm>>) target(%arg12 : memref<80xi32, #tpu.memory_space<vmem>>) target_semaphore(%arg19 : memref<!tpu.dma_semaphore, #tpu.memory_space<semaphore_mem>>)
    %add3A_16 = arith.constant 160 : i32
    %add3A_17 = arith.addi %mul3A_4, %add3A_16 : i32
    %dma_start3A_18 = tpu.memref_slice %arg2[%add3A_17] : memref<320000xi32, #tpu.memory_space<hbm>> -> memref<80xi32, #tpu.memory_space<hbm>>
    %dma_start3A_19 = tpu.memref_slice %arg2[%add3A_17] : memref<320000xi32, #tpu.memory_space<hbm>> -> memref<80xi32, #tpu.memory_space<hbm>>
    tpu.enqueue_dma source(%dma_start3A_19 : memref<80xi32, #tpu.memory_space<hbm>>) target(%arg9 : memref<80xi32, #tpu.memory_space<vmem>>) target_semaphore(%arg20 : memref<!tpu.dma_semaphore, #tpu.memory_space<semaphore_mem>>)
    %dma_start3A_20 = tpu.memref_slice %arg3[%add3A_17] : memref<320000xi32, #tpu.memory_space<hbm>> -> memref<80xi32, #tpu.memory_space<hbm>>
    %dma_start3A_21 = tpu.memref_slice %arg3[%add3A_17] : memref<320000xi32, #tpu.memory_space<hbm>> -> memref<80xi32, #tpu.memory_space<hbm>>
    tpu.enqueue_dma source(%dma_start3A_21 : memref<80xi32, #tpu.memory_space<hbm>>) target(%arg13 : memref<80xi32, #tpu.memory_space<vmem>>) target_semaphore(%arg20 : memref<!tpu.dma_semaphore, #tpu.memory_space<semaphore_mem>>)
    "tpu.region"() ({
      %run_scoped3A = tpu.sem_alloc : memref<!tpu.dma_semaphore, #tpu.memory_space<semaphore_mem>>
      %dma_start3A_39 = arith.constant 0 : i32
      %dma_start3A_40 = tpu.memref_slice %arg17[%mul3A_0, %dma_start3A_39] : memref<10240x128xf32, #tpu.memory_space<vmem_shared>> -> memref<640x128xf32, #tpu.memory_space<vmem_shared>>
      tpu.enqueue_dma source(%arg5 : memref<640x128xf32, #tpu.memory_space<hbm>>) target(%dma_start3A_40 : memref<640x128xf32, #tpu.memory_space<vmem_shared>>) target_semaphore(%run_scoped3A : memref<!tpu.dma_semaphore, #tpu.memory_space<semaphore_mem>>)
      %dma_wait3A_41 = arith.constant 0 : i32
      %dma_wait3A_42 = tpu.memref_slice %arg17[%mul3A_0, %dma_wait3A_41] : memref<10240x128xf32, #tpu.memory_space<vmem_shared>> -> memref<640x128xf32, #tpu.memory_space<vmem_shared>>
      tpu.wait_dma2 semaphore(%run_scoped3A : memref<!tpu.dma_semaphore, #tpu.memory_space<semaphore_mem>>) src(%arg5 : memref<640x128xf32, #tpu.memory_space<hbm>>) dst(%dma_wait3A_42 : memref<640x128xf32, #tpu.memory_space<vmem_shared>>)
      tpu.yield
    }) : () -> ()
    %barrier3A = arith.constant 0 : index
    tpu.barrier barrier_id(%barrier3A)
    %add3A_22 = arith.constant 0 : i32
    %add3A_23 = arith.addi %mul3A_4, %add3A_22 : i32
    %dma_wait3A = tpu.memref_slice %arg2[%add3A_23] : memref<320000xi32, #tpu.memory_space<hbm>> -> memref<80xi32, #tpu.memory_space<hbm>>
    %dma_wait3A_24 = tpu.memref_slice %arg2[%add3A_23] : memref<320000xi32, #tpu.memory_space<hbm>> -> memref<80xi32, #tpu.memory_space<hbm>>
    tpu.wait_dma2 semaphore(%arg18 : memref<!tpu.dma_semaphore, #tpu.memory_space<semaphore_mem>>) src(%dma_wait3A_24 : memref<80xi32, #tpu.memory_space<hbm>>) dst(%arg7 : memref<80xi32, #tpu.memory_space<vmem>>)
    %dma_wait3A_25 = tpu.memref_slice %arg3[%add3A_23] : memref<320000xi32, #tpu.memory_space<hbm>> -> memref<80xi32, #tpu.memory_space<hbm>>
    %dma_wait3A_26 = tpu.memref_slice %arg3[%add3A_23] : memref<320000xi32, #tpu.memory_space<hbm>> -> memref<80xi32, #tpu.memory_space<hbm>>
    tpu.wait_dma2 semaphore(%arg18 : memref<!tpu.dma_semaphore, #tpu.memory_space<semaphore_mem>>) src(%dma_wait3A_26 : memref<80xi32, #tpu.memory_space<hbm>>) dst(%arg11 : memref<80xi32, #tpu.memory_space<vmem>>)
    %dma_start3A_27 = arith.constant 0 : i32
    %dma_start3A_28 = arith.constant 0 : i32
    %dma_start3A_29 = tpu.memref_slice %arg4[%dma_start3A_27, %dma_start3A_28] : memref<10000x128xf32, #tpu.memory_space<hbm>> -> memref<10000x128xf32, #tpu.memory_space<hbm>>
    tpu.enqueue_indirect_dma source(%dma_start3A_29 : memref<10000x128xf32, #tpu.memory_space<hbm>>) target(%arg15 : memref<80x128xf32, #tpu.memory_space<vmem>>) offsets(%arg7 : memref<80xi32, #tpu.memory_space<vmem>>) semaphore(%arg22 : memref<!tpu.dma_semaphore, #tpu.memory_space<semaphore_mem>>)
    %scan3A = arith.constant 0 : i32
    %scan3A_30 = arith.constant 0 : i32
    %scan3A_31 = arith.constant 31 : i32
    %scan3A_32 = arith.addi %scan3A_30, %scan3A_31 : i32
    %scan3A_33 = arith.constant 1 : i32
    scf.for %scan3A_39 = %scan3A_30 to %scan3A_32 step %scan3A_33  : i32 {
      %mul3A_40 = arith.constant 4 : i32
      %mul3A_41 = arith.muli %scan3A_39, %mul3A_40 : i32
      %add3A_42 = arith.constant 0 : i32
      %add3A_43 = arith.addi %mul3A_41, %add3A_42 : i32
      %dma_wait3A_44 = arith.constant 0 : i32
      %dma_wait3A_45 = arith.constant 0 : i32
      %dma_wait3A_46 = tpu.memref_slice %arg4[%dma_wait3A_44, %dma_wait3A_45] : memref<10000x128xf32, #tpu.memory_space<hbm>> -> memref<10000x128xf32, #tpu.memory_space<hbm>>
      tpu.wait_indirect_dma semaphore(%arg22 : memref<!tpu.dma_semaphore, #tpu.memory_space<semaphore_mem>>) src(%dma_wait3A_46 : memref<10000x128xf32, #tpu.memory_space<hbm>>) dst(%arg15 : memref<80x128xf32, #tpu.memory_space<vmem>>)
      %add3A_47 = arith.constant 1 : i32
      %add3A_48 = arith.addi %add3A_43, %add3A_47 : i32
      %mul3A_49 = arith.constant 80 : i32
      %mul3A_50 = arith.muli %add3A_48, %mul3A_49 : i32
      %add3A_51 = arith.addi %mul3A_4, %mul3A_50 : i32
      %dma_wait3A_52 = tpu.memref_slice %arg2[%add3A_51] : memref<320000xi32, #tpu.memory_space<hbm>> -> memref<80xi32, #tpu.memory_space<hbm>>
      %dma_wait3A_53 = tpu.memref_slice %arg2[%add3A_51] : memref<320000xi32, #tpu.memory_space<hbm>> -> memref<80xi32, #tpu.memory_space<hbm>>
      tpu.wait_dma2 semaphore(%arg19 : memref<!tpu.dma_semaphore, #tpu.memory_space<semaphore_mem>>) src(%dma_wait3A_53 : memref<80xi32, #tpu.memory_space<hbm>>) dst(%arg8 : memref<80xi32, #tpu.memory_space<vmem>>)
      %dma_wait3A_54 = tpu.memref_slice %arg3[%add3A_51] : memref<320000xi32, #tpu.memory_space<hbm>> -> memref<80xi32, #tpu.memory_space<hbm>>
      %dma_wait3A_55 = tpu.memref_slice %arg3[%add3A_51] : memref<320000xi32, #tpu.memory_space<hbm>> -> memref<80xi32, #tpu.memory_space<hbm>>
      tpu.wait_dma2 semaphore(%arg19 : memref<!tpu.dma_semaphore, #tpu.memory_space<semaphore_mem>>) src(%dma_wait3A_55 : memref<80xi32, #tpu.memory_space<hbm>>) dst(%arg12 : memref<80xi32, #tpu.memory_space<vmem>>)
      %dma_start3A_56 = arith.constant 0 : i32
      %dma_start3A_57 = arith.constant 0 : i32
      %dma_start3A_58 = tpu.memref_slice %arg4[%dma_start3A_56, %dma_start3A_57] : memref<10000x128xf32, #tpu.memory_space<hbm>> -> memref<10000x128xf32, #tpu.memory_space<hbm>>
      tpu.enqueue_indirect_dma source(%dma_start3A_58 : memref<10000x128xf32, #tpu.memory_space<hbm>>) target(%arg16 : memref<80x128xf32, #tpu.memory_space<vmem>>) offsets(%arg8 : memref<80xi32, #tpu.memory_space<vmem>>) semaphore(%arg23 : memref<!tpu.dma_semaphore, #tpu.memory_space<semaphore_mem>>)
      %add3A_59 = arith.constant 3 : i32
      %add3A_60 = arith.addi %add3A_43, %add3A_59 : i32
      %lt3A = arith.constant 125 : i32
      %lt3A_61 = arith.cmpi slt, %add3A_60, %lt3A : i32
      %convert_element_type3A = arith.extui %lt3A_61 : i1 to i32
      %cond3A = arith.constant 0 : i32
      %cond3A_62 = arith.cmpi ne, %convert_element_type3A, %cond3A : i32
      scf.if %cond3A_62 {
        %add3A_141 = arith.constant 3 : i32
        %add3A_142 = arith.addi %add3A_43, %add3A_141 : i32
        %mul3A_143 = arith.constant 80 : i32
        %mul3A_144 = arith.muli %add3A_142, %mul3A_143 : i32
        %add3A_145 = arith.addi %mul3A_4, %mul3A_144 : i32
        %dma_start3A_146 = tpu.memref_slice %arg2[%add3A_145] : memref<320000xi32, #tpu.memory_space<hbm>> -> memref<80xi32, #tpu.memory_space<hbm>>
        %dma_start3A_147 = tpu.memref_slice %arg2[%add3A_145] : memref<320000xi32, #tpu.memory_space<hbm>> -> memref<80xi32, #tpu.memory_space<hbm>>
        tpu.enqueue_dma source(%dma_start3A_147 : memref<80xi32, #tpu.memory_space<hbm>>) target(%arg10 : memref<80xi32, #tpu.memory_space<vmem>>) target_semaphore(%arg21 : memref<!tpu.dma_semaphore, #tpu.memory_space<semaphore_mem>>)
        %dma_start3A_148 = tpu.memref_slice %arg3[%add3A_145] : memref<320000xi32, #tpu.memory_space<hbm>> -> memref<80xi32, #tpu.memory_space<hbm>>
        %dma_start3A_149 = tpu.memref_slice %arg3[%add3A_145] : memref<320000xi32, #tpu.memory_space<hbm>> -> memref<80xi32, #tpu.memory_space<hbm>>
        tpu.enqueue_dma source(%dma_start3A_149 : memref<80xi32, #tpu.memory_space<hbm>>) target(%arg14 : memref<80xi32, #tpu.memory_space<vmem>>) target_semaphore(%arg21 : memref<!tpu.dma_semaphore, #tpu.memory_space<semaphore_mem>>)
      } else {
      }
      "tpu.region"() ({
        %run_scoped3A = tpu.sem_alloc : memref<!tpu.dma_semaphore, #tpu.memory_space<semaphore_mem>>
        %dma_start3A_141 = arith.constant 0 : i32
        %dma_start3A_142 = arith.constant 0 : i32
        %dma_start3A_143 = tpu.memref_slice %arg17[%dma_start3A_141, %dma_start3A_142] : memref<10240x128xf32, #tpu.memory_space<vmem_shared>> -> memref<10240x128xf32, #tpu.memory_space<vmem_shared>>
        tpu.enqueue_indirect_dma source(%arg15 : memref<80x128xf32, #tpu.memory_space<vmem>>) target(%dma_start3A_143 : memref<10240x128xf32, #tpu.memory_space<vmem_shared>>) offsets(%arg11 : memref<80xi32, #tpu.memory_space<vmem>>) semaphore(%run_scoped3A : memref<!tpu.dma_semaphore, #tpu.memory_space<semaphore_mem>>) {add = true}
        %dma_wait3A_144 = arith.constant 0 : i32
        %dma_wait3A_145 = arith.constant 0 : i32
        %dma_wait3A_146 = tpu.memref_slice %arg17[%dma_wait3A_144, %dma_wait3A_145] : memref<10240x128xf32, #tpu.memory_space<vmem_shared>> -> memref<10240x128xf32, #tpu.memory_space<vmem_shared>>
        tpu.wait_indirect_dma semaphore(%run_scoped3A : memref<!tpu.dma_semaphore, #tpu.memory_space<semaphore_mem>>) src(%arg15 : memref<80x128xf32, #tpu.memory_space<vmem>>) dst(%dma_wait3A_146 : memref<10240x128xf32, #tpu.memory_space<vmem_shared>>)
        tpu.yield
      }) : () -> ()
      %mul3A_63 = arith.constant 4 : i32
      %mul3A_64 = arith.muli %scan3A_39, %mul3A_63 : i32
      %add3A_65 = arith.constant 1 : i32
      %add3A_66 = arith.addi %mul3A_64, %add3A_65 : i32
      %dma_wait3A_67 = arith.constant 0 : i32
      %dma_wait3A_68 = arith.constant 0 : i32
      %dma_wait3A_69 = tpu.memref_slice %arg4[%dma_wait3A_67, %dma_wait3A_68] : memref<10000x128xf32, #tpu.memory_space<hbm>> -> memref<10000x128xf32, #tpu.memory_space<hbm>>
      tpu.wait_indirect_dma semaphore(%arg23 : memref<!tpu.dma_semaphore, #tpu.memory_space<semaphore_mem>>) src(%dma_wait3A_69 : memref<10000x128xf32, #tpu.memory_space<hbm>>) dst(%arg16 : memref<80x128xf32, #tpu.memory_space<vmem>>)
      %add3A_70 = arith.constant 1 : i32
      %add3A_71 = arith.addi %add3A_66, %add3A_70 : i32
      %mul3A_72 = arith.constant 80 : i32
      %mul3A_73 = arith.muli %add3A_71, %mul3A_72 : i32
      %add3A_74 = arith.addi %mul3A_4, %mul3A_73 : i32
      %dma_wait3A_75 = tpu.memref_slice %arg2[%add3A_74] : memref<320000xi32, #tpu.memory_space<hbm>> -> memref<80xi32, #tpu.memory_space<hbm>>
      %dma_wait3A_76 = tpu.memref_slice %arg2[%add3A_74] : memref<320000xi32, #tpu.memory_space<hbm>> -> memref<80xi32, #tpu.memory_space<hbm>>
      tpu.wait_dma2 semaphore(%arg20 : memref<!tpu.dma_semaphore, #tpu.memory_space<semaphore_mem>>) src(%dma_wait3A_76 : memref<80xi32, #tpu.memory_space<hbm>>) dst(%arg9 : memref<80xi32, #tpu.memory_space<vmem>>)
      %dma_wait3A_77 = tpu.memref_slice %arg3[%add3A_74] : memref<320000xi32, #tpu.memory_space<hbm>> -> memref<80xi32, #tpu.memory_space<hbm>>
      %dma_wait3A_78 = tpu.memref_slice %arg3[%add3A_74] : memref<320000xi32, #tpu.memory_space<hbm>> -> memref<80xi32, #tpu.memory_space<hbm>>
      tpu.wait_dma2 semaphore(%arg20 : memref<!tpu.dma_semaphore, #tpu.memory_space<semaphore_mem>>) src(%dma_wait3A_78 : memref<80xi32, #tpu.memory_space<hbm>>) dst(%arg13 : memref<80xi32, #tpu.memory_space<vmem>>)
      %dma_start3A_79 = arith.constant 0 : i32
      %dma_start3A_80 = arith.constant 0 : i32
      %dma_start3A_81 = tpu.memref_slice %arg4[%dma_start3A_79, %dma_start3A_80] : memref<10000x128xf32, #tpu.memory_space<hbm>> -> memref<10000x128xf32, #tpu.memory_space<hbm>>
      tpu.enqueue_indirect_dma source(%dma_start3A_81 : memref<10000x128xf32, #tpu.memory_space<hbm>>) target(%arg15 : memref<80x128xf32, #tpu.memory_space<vmem>>) offsets(%arg9 : memref<80xi32, #tpu.memory_space<vmem>>) semaphore(%arg22 : memref<!tpu.dma_semaphore, #tpu.memory_space<semaphore_mem>>)
      %add3A_82 = arith.constant 3 : i32
      %add3A_83 = arith.addi %add3A_66, %add3A_82 : i32
      %lt3A_84 = arith.constant 125 : i32
      %lt3A_85 = arith.cmpi slt, %add3A_83, %lt3A_84 : i32
      %convert_element_type3A_86 = arith.extui %lt3A_85 : i1 to i32
      %cond3A_87 = arith.constant 0 : i32
      %cond3A_88 = arith.cmpi ne, %convert_element_type3A_86, %cond3A_87 : i32
      scf.if %cond3A_88 {
        %add3A_141 = arith.constant 3 : i32
        %add3A_142 = arith.addi %add3A_66, %add3A_141 : i32
        %mul3A_143 = arith.constant 80 : i32
        %mul3A_144 = arith.muli %add3A_142, %mul3A_143 : i32
        %add3A_145 = arith.addi %mul3A_4, %mul3A_144 : i32
        %dma_start3A_146 = tpu.memref_slice %arg2[%add3A_145] : memref<320000xi32, #tpu.memory_space<hbm>> -> memref<80xi32, #tpu.memory_space<hbm>>
        %dma_start3A_147 = tpu.memref_slice %arg2[%add3A_145] : memref<320000xi32, #tpu.memory_space<hbm>> -> memref<80xi32, #tpu.memory_space<hbm>>
        tpu.enqueue_dma source(%dma_start3A_147 : memref<80xi32, #tpu.memory_space<hbm>>) target(%arg7 : memref<80xi32, #tpu.memory_space<vmem>>) target_semaphore(%arg18 : memref<!tpu.dma_semaphore, #tpu.memory_space<semaphore_mem>>)
        %dma_start3A_148 = tpu.memref_slice %arg3[%add3A_145] : memref<320000xi32, #tpu.memory_space<hbm>> -> memref<80xi32, #tpu.memory_space<hbm>>
        %dma_start3A_149 = tpu.memref_slice %arg3[%add3A_145] : memref<320000xi32, #tpu.memory_space<hbm>> -> memref<80xi32, #tpu.memory_space<hbm>>
        tpu.enqueue_dma source(%dma_start3A_149 : memref<80xi32, #tpu.memory_space<hbm>>) target(%arg11 : memref<80xi32, #tpu.memory_space<vmem>>) target_semaphore(%arg18 : memref<!tpu.dma_semaphore, #tpu.memory_space<semaphore_mem>>)
      } else {
      }
      "tpu.region"() ({
        %run_scoped3A = tpu.sem_alloc : memref<!tpu.dma_semaphore, #tpu.memory_space<semaphore_mem>>
        %dma_start3A_141 = arith.constant 0 : i32
        %dma_start3A_142 = arith.constant 0 : i32
        %dma_start3A_143 = tpu.memref_slice %arg17[%dma_start3A_141, %dma_start3A_142] : memref<10240x128xf32, #tpu.memory_space<vmem_shared>> -> memref<10240x128xf32, #tpu.memory_space<vmem_shared>>
        tpu.enqueue_indirect_dma source(%arg16 : memref<80x128xf32, #tpu.memory_space<vmem>>) target(%dma_start3A_143 : memref<10240x128xf32, #tpu.memory_space<vmem_shared>>) offsets(%arg12 : memref<80xi32, #tpu.memory_space<vmem>>) semaphore(%run_scoped3A : memref<!tpu.dma_semaphore, #tpu.memory_space<semaphore_mem>>) {add = true}
        %dma_wait3A_144 = arith.constant 0 : i32
        %dma_wait3A_145 = arith.constant 0 : i32
        %dma_wait3A_146 = tpu.memref_slice %arg17[%dma_wait3A_144, %dma_wait3A_145] : memref<10240x128xf32, #tpu.memory_space<vmem_shared>> -> memref<10240x128xf32, #tpu.memory_space<vmem_shared>>
        tpu.wait_indirect_dma semaphore(%run_scoped3A : memref<!tpu.dma_semaphore, #tpu.memory_space<semaphore_mem>>) src(%arg16 : memref<80x128xf32, #tpu.memory_space<vmem>>) dst(%dma_wait3A_146 : memref<10240x128xf32, #tpu.memory_space<vmem_shared>>)
        tpu.yield
      }) : () -> ()
      %mul3A_89 = arith.constant 4 : i32
      %mul3A_90 = arith.muli %scan3A_39, %mul3A_89 : i32
      %add3A_91 = arith.constant 2 : i32
      %add3A_92 = arith.addi %mul3A_90, %add3A_91 : i32
      %dma_wait3A_93 = arith.constant 0 : i32
      %dma_wait3A_94 = arith.constant 0 : i32
      %dma_wait3A_95 = tpu.memref_slice %arg4[%dma_wait3A_93, %dma_wait3A_94] : memref<10000x128xf32, #tpu.memory_space<hbm>> -> memref<10000x128xf32, #tpu.memory_space<hbm>>
      tpu.wait_indirect_dma semaphore(%arg22 : memref<!tpu.dma_semaphore, #tpu.memory_space<semaphore_mem>>) src(%dma_wait3A_95 : memref<10000x128xf32, #tpu.memory_space<hbm>>) dst(%arg15 : memref<80x128xf32, #tpu.memory_space<vmem>>)
      %add3A_96 = arith.constant 1 : i32
      %add3A_97 = arith.addi %add3A_92, %add3A_96 : i32
      %mul3A_98 = arith.constant 80 : i32
      %mul3A_99 = arith.muli %add3A_97, %mul3A_98 : i32
      %add3A_100 = arith.addi %mul3A_4, %mul3A_99 : i32
      %dma_wait3A_101 = tpu.memref_slice %arg2[%add3A_100] : memref<320000xi32, #tpu.memory_space<hbm>> -> memref<80xi32, #tpu.memory_space<hbm>>
      %dma_wait3A_102 = tpu.memref_slice %arg2[%add3A_100] : memref<320000xi32, #tpu.memory_space<hbm>> -> memref<80xi32, #tpu.memory_space<hbm>>
      tpu.wait_dma2 semaphore(%arg21 : memref<!tpu.dma_semaphore, #tpu.memory_space<semaphore_mem>>) src(%dma_wait3A_102 : memref<80xi32, #tpu.memory_space<hbm>>) dst(%arg10 : memref<80xi32, #tpu.memory_space<vmem>>)
      %dma_wait3A_103 = tpu.memref_slice %arg3[%add3A_100] : memref<320000xi32, #tpu.memory_space<hbm>> -> memref<80xi32, #tpu.memory_space<hbm>>
      %dma_wait3A_104 = tpu.memref_slice %arg3[%add3A_100] : memref<320000xi32, #tpu.memory_space<hbm>> -> memref<80xi32, #tpu.memory_space<hbm>>
      tpu.wait_dma2 semaphore(%arg21 : memref<!tpu.dma_semaphore, #tpu.memory_space<semaphore_mem>>) src(%dma_wait3A_104 : memref<80xi32, #tpu.memory_space<hbm>>) dst(%arg14 : memref<80xi32, #tpu.memory_space<vmem>>)
      %dma_start3A_105 = arith.constant 0 : i32
      %dma_start3A_106 = arith.constant 0 : i32
      %dma_start3A_107 = tpu.memref_slice %arg4[%dma_start3A_105, %dma_start3A_106] : memref<10000x128xf32, #tpu.memory_space<hbm>> -> memref<10000x128xf32, #tpu.memory_space<hbm>>
      tpu.enqueue_indirect_dma source(%dma_start3A_107 : memref<10000x128xf32, #tpu.memory_space<hbm>>) target(%arg16 : memref<80x128xf32, #tpu.memory_space<vmem>>) offsets(%arg10 : memref<80xi32, #tpu.memory_space<vmem>>) semaphore(%arg23 : memref<!tpu.dma_semaphore, #tpu.memory_space<semaphore_mem>>)
      %add3A_108 = arith.constant 3 : i32
      %add3A_109 = arith.addi %add3A_92, %add3A_108 : i32
      %lt3A_110 = arith.constant 125 : i32
      %lt3A_111 = arith.cmpi slt, %add3A_109, %lt3A_110 : i32
      %convert_element_type3A_112 = arith.extui %lt3A_111 : i1 to i32
      %cond3A_113 = arith.constant 0 : i32
      %cond3A_114 = arith.cmpi ne, %convert_element_type3A_112, %cond3A_113 : i32
      scf.if %cond3A_114 {
        %add3A_141 = arith.constant 3 : i32
        %add3A_142 = arith.addi %add3A_92, %add3A_141 : i32
        %mul3A_143 = arith.constant 80 : i32
        %mul3A_144 = arith.muli %add3A_142, %mul3A_143 : i32
        %add3A_145 = arith.addi %mul3A_4, %mul3A_144 : i32
        %dma_start3A_146 = tpu.memref_slice %arg2[%add3A_145] : memref<320000xi32, #tpu.memory_space<hbm>> -> memref<80xi32, #tpu.memory_space<hbm>>
        %dma_start3A_147 = tpu.memref_slice %arg2[%add3A_145] : memref<320000xi32, #tpu.memory_space<hbm>> -> memref<80xi32, #tpu.memory_space<hbm>>
        tpu.enqueue_dma source(%dma_start3A_147 : memref<80xi32, #tpu.memory_space<hbm>>) target(%arg8 : memref<80xi32, #tpu.memory_space<vmem>>) target_semaphore(%arg19 : memref<!tpu.dma_semaphore, #tpu.memory_space<semaphore_mem>>)
        %dma_start3A_148 = tpu.memref_slice %arg3[%add3A_145] : memref<320000xi32, #tpu.memory_space<hbm>> -> memref<80xi32, #tpu.memory_space<hbm>>
        %dma_start3A_149 = tpu.memref_slice %arg3[%add3A_145] : memref<320000xi32, #tpu.memory_space<hbm>> -> memref<80xi32, #tpu.memory_space<hbm>>
        tpu.enqueue_dma source(%dma_start3A_149 : memref<80xi32, #tpu.memory_space<hbm>>) target(%arg12 : memref<80xi32, #tpu.memory_space<vmem>>) target_semaphore(%arg19 : memref<!tpu.dma_semaphore, #tpu.memory_space<semaphore_mem>>)
      } else {
      }
      "tpu.region"() ({
        %run_scoped3A = tpu.sem_alloc : memref<!tpu.dma_semaphore, #tpu.memory_space<semaphore_mem>>
        %dma_start3A_141 = arith.constant 0 : i32
        %dma_start3A_142 = arith.constant 0 : i32
        %dma_start3A_143 = tpu.memref_slice %arg17[%dma_start3A_141, %dma_start3A_142] : memref<10240x128xf32, #tpu.memory_space<vmem_shared>> -> memref<10240x128xf32, #tpu.memory_space<vmem_shared>>
        tpu.enqueue_indirect_dma source(%arg15 : memref<80x128xf32, #tpu.memory_space<vmem>>) target(%dma_start3A_143 : memref<10240x128xf32, #tpu.memory_space<vmem_shared>>) offsets(%arg13 : memref<80xi32, #tpu.memory_space<vmem>>) semaphore(%run_scoped3A : memref<!tpu.dma_semaphore, #tpu.memory_space<semaphore_mem>>) {add = true}
        %dma_wait3A_144 = arith.constant 0 : i32
        %dma_wait3A_145 = arith.constant 0 : i32
        %dma_wait3A_146 = tpu.memref_slice %arg17[%dma_wait3A_144, %dma_wait3A_145] : memref<10240x128xf32, #tpu.memory_space<vmem_shared>> -> memref<10240x128xf32, #tpu.memory_space<vmem_shared>>
        tpu.wait_indirect_dma semaphore(%run_scoped3A : memref<!tpu.dma_semaphore, #tpu.memory_space<semaphore_mem>>) src(%arg15 : memref<80x128xf32, #tpu.memory_space<vmem>>) dst(%dma_wait3A_146 : memref<10240x128xf32, #tpu.memory_space<vmem_shared>>)
        tpu.yield
      }) : () -> ()
      %mul3A_115 = arith.constant 4 : i32
      %mul3A_116 = arith.muli %scan3A_39, %mul3A_115 : i32
      %add3A_117 = arith.constant 3 : i32
      %add3A_118 = arith.addi %mul3A_116, %add3A_117 : i32
      %dma_wait3A_119 = arith.constant 0 : i32
      %dma_wait3A_120 = arith.constant 0 : i32
      %dma_wait3A_121 = tpu.memref_slice %arg4[%dma_wait3A_119, %dma_wait3A_120] : memref<10000x128xf32, #tpu.memory_space<hbm>> -> memref<10000x128xf32, #tpu.memory_space<hbm>>
      tpu.wait_indirect_dma semaphore(%arg23 : memref<!tpu.dma_semaphore, #tpu.memory_space<semaphore_mem>>) src(%dma_wait3A_121 : memref<10000x128xf32, #tpu.memory_space<hbm>>) dst(%arg16 : memref<80x128xf32, #tpu.memory_space<vmem>>)
      %add3A_122 = arith.constant 1 : i32
      %add3A_123 = arith.addi %add3A_118, %add3A_122 : i32
      %mul3A_124 = arith.constant 80 : i32
      %mul3A_125 = arith.muli %add3A_123, %mul3A_124 : i32
      %add3A_126 = arith.addi %mul3A_4, %mul3A_125 : i32
      %dma_wait3A_127 = tpu.memref_slice %arg2[%add3A_126] : memref<320000xi32, #tpu.memory_space<hbm>> -> memref<80xi32, #tpu.memory_space<hbm>>
      %dma_wait3A_128 = tpu.memref_slice %arg2[%add3A_126] : memref<320000xi32, #tpu.memory_space<hbm>> -> memref<80xi32, #tpu.memory_space<hbm>>
      tpu.wait_dma2 semaphore(%arg18 : memref<!tpu.dma_semaphore, #tpu.memory_space<semaphore_mem>>) src(%dma_wait3A_128 : memref<80xi32, #tpu.memory_space<hbm>>) dst(%arg7 : memref<80xi32, #tpu.memory_space<vmem>>)
      %dma_wait3A_129 = tpu.memref_slice %arg3[%add3A_126] : memref<320000xi32, #tpu.memory_space<hbm>> -> memref<80xi32, #tpu.memory_space<hbm>>
      %dma_wait3A_130 = tpu.memref_slice %arg3[%add3A_126] : memref<320000xi32, #tpu.memory_space<hbm>> -> memref<80xi32, #tpu.memory_space<hbm>>
      tpu.wait_dma2 semaphore(%arg18 : memref<!tpu.dma_semaphore, #tpu.memory_space<semaphore_mem>>) src(%dma_wait3A_130 : memref<80xi32, #tpu.memory_space<hbm>>) dst(%arg11 : memref<80xi32, #tpu.memory_space<vmem>>)
      %dma_start3A_131 = arith.constant 0 : i32
      %dma_start3A_132 = arith.constant 0 : i32
      %dma_start3A_133 = tpu.memref_slice %arg4[%dma_start3A_131, %dma_start3A_132] : memref<10000x128xf32, #tpu.memory_space<hbm>> -> memref<10000x128xf32, #tpu.memory_space<hbm>>
      tpu.enqueue_indirect_dma source(%dma_start3A_133 : memref<10000x128xf32, #tpu.memory_space<hbm>>) target(%arg15 : memref<80x128xf32, #tpu.memory_space<vmem>>) offsets(%arg7 : memref<80xi32, #tpu.memory_space<vmem>>) semaphore(%arg22 : memref<!tpu.dma_semaphore, #tpu.memory_space<semaphore_mem>>)
      %add3A_134 = arith.constant 3 : i32
      %add3A_135 = arith.addi %add3A_118, %add3A_134 : i32
      %lt3A_136 = arith.constant 125 : i32
      %lt3A_137 = arith.cmpi slt, %add3A_135, %lt3A_136 : i32
      %convert_element_type3A_138 = arith.extui %lt3A_137 : i1 to i32
      %cond3A_139 = arith.constant 0 : i32
      %cond3A_140 = arith.cmpi ne, %convert_element_type3A_138, %cond3A_139 : i32
      scf.if %cond3A_140 {
        %add3A_141 = arith.constant 3 : i32
        %add3A_142 = arith.addi %add3A_118, %add3A_141 : i32
        %mul3A_143 = arith.constant 80 : i32
        %mul3A_144 = arith.muli %add3A_142, %mul3A_143 : i32
        %add3A_145 = arith.addi %mul3A_4, %mul3A_144 : i32
        %dma_start3A_146 = tpu.memref_slice %arg2[%add3A_145] : memref<320000xi32, #tpu.memory_space<hbm>> -> memref<80xi32, #tpu.memory_space<hbm>>
        %dma_start3A_147 = tpu.memref_slice %arg2[%add3A_145] : memref<320000xi32, #tpu.memory_space<hbm>> -> memref<80xi32, #tpu.memory_space<hbm>>
        tpu.enqueue_dma source(%dma_start3A_147 : memref<80xi32, #tpu.memory_space<hbm>>) target(%arg9 : memref<80xi32, #tpu.memory_space<vmem>>) target_semaphore(%arg20 : memref<!tpu.dma_semaphore, #tpu.memory_space<semaphore_mem>>)
        %dma_start3A_148 = tpu.memref_slice %arg3[%add3A_145] : memref<320000xi32, #tpu.memory_space<hbm>> -> memref<80xi32, #tpu.memory_space<hbm>>
        %dma_start3A_149 = tpu.memref_slice %arg3[%add3A_145] : memref<320000xi32, #tpu.memory_space<hbm>> -> memref<80xi32, #tpu.memory_space<hbm>>
        tpu.enqueue_dma source(%dma_start3A_149 : memref<80xi32, #tpu.memory_space<hbm>>) target(%arg13 : memref<80xi32, #tpu.memory_space<vmem>>) target_semaphore(%arg20 : memref<!tpu.dma_semaphore, #tpu.memory_space<semaphore_mem>>)
      } else {
      }
      "tpu.region"() ({
        %run_scoped3A = tpu.sem_alloc : memref<!tpu.dma_semaphore, #tpu.memory_space<semaphore_mem>>
        %dma_start3A_141 = arith.constant 0 : i32
        %dma_start3A_142 = arith.constant 0 : i32
        %dma_start3A_143 = tpu.memref_slice %arg17[%dma_start3A_141, %dma_start3A_142] : memref<10240x128xf32, #tpu.memory_space<vmem_shared>> -> memref<10240x128xf32, #tpu.memory_space<vmem_shared>>
        tpu.enqueue_indirect_dma source(%arg16 : memref<80x128xf32, #tpu.memory_space<vmem>>) target(%dma_start3A_143 : memref<10240x128xf32, #tpu.memory_space<vmem_shared>>) offsets(%arg14 : memref<80xi32, #tpu.memory_space<vmem>>) semaphore(%run_scoped3A : memref<!tpu.dma_semaphore, #tpu.memory_space<semaphore_mem>>) {add = true}
        %dma_wait3A_144 = arith.constant 0 : i32
        %dma_wait3A_145 = arith.constant 0 : i32
        %dma_wait3A_146 = tpu.memref_slice %arg17[%dma_wait3A_144, %dma_wait3A_145] : memref<10240x128xf32, #tpu.memory_space<vmem_shared>> -> memref<10240x128xf32, #tpu.memory_space<vmem_shared>>
        tpu.wait_indirect_dma semaphore(%run_scoped3A : memref<!tpu.dma_semaphore, #tpu.memory_space<semaphore_mem>>) src(%arg16 : memref<80x128xf32, #tpu.memory_space<vmem>>) dst(%dma_wait3A_146 : memref<10240x128xf32, #tpu.memory_space<vmem_shared>>)
        tpu.yield
      }) : () -> ()
    }
    %scan3A_34 = arith.constant 31 : i32
    %dma_wait3A_35 = arith.constant 0 : i32
    %dma_wait3A_36 = arith.constant 0 : i32
    %dma_wait3A_37 = tpu.memref_slice %arg4[%dma_wait3A_35, %dma_wait3A_36] : memref<10000x128xf32, #tpu.memory_space<hbm>> -> memref<10000x128xf32, #tpu.memory_space<hbm>>
    tpu.wait_indirect_dma semaphore(%arg22 : memref<!tpu.dma_semaphore, #tpu.memory_space<semaphore_mem>>) src(%dma_wait3A_37 : memref<10000x128xf32, #tpu.memory_space<hbm>>) dst(%arg15 : memref<80x128xf32, #tpu.memory_space<vmem>>)
    "tpu.region"() ({
      %run_scoped3A = tpu.sem_alloc : memref<!tpu.dma_semaphore, #tpu.memory_space<semaphore_mem>>
      %dma_start3A_39 = arith.constant 0 : i32
      %dma_start3A_40 = arith.constant 0 : i32
      %dma_start3A_41 = tpu.memref_slice %arg17[%dma_start3A_39, %dma_start3A_40] : memref<10240x128xf32, #tpu.memory_space<vmem_shared>> -> memref<10240x128xf32, #tpu.memory_space<vmem_shared>>
      tpu.enqueue_indirect_dma source(%arg15 : memref<80x128xf32, #tpu.memory_space<vmem>>) target(%dma_start3A_41 : memref<10240x128xf32, #tpu.memory_space<vmem_shared>>) offsets(%arg11 : memref<80xi32, #tpu.memory_space<vmem>>) semaphore(%run_scoped3A : memref<!tpu.dma_semaphore, #tpu.memory_space<semaphore_mem>>) {add = true}
      %dma_wait3A_42 = arith.constant 0 : i32
      %dma_wait3A_43 = arith.constant 0 : i32
      %dma_wait3A_44 = tpu.memref_slice %arg17[%dma_wait3A_42, %dma_wait3A_43] : memref<10240x128xf32, #tpu.memory_space<vmem_shared>> -> memref<10240x128xf32, #tpu.memory_space<vmem_shared>>
      tpu.wait_indirect_dma semaphore(%run_scoped3A : memref<!tpu.dma_semaphore, #tpu.memory_space<semaphore_mem>>) src(%arg15 : memref<80x128xf32, #tpu.memory_space<vmem>>) dst(%dma_wait3A_44 : memref<10240x128xf32, #tpu.memory_space<vmem_shared>>)
      tpu.yield
    }) : () -> ()
    %barrier3A_38 = arith.constant 0 : index
    tpu.barrier barrier_id(%barrier3A_38)
    "tpu.region"() ({
      %run_scoped3A = tpu.sem_alloc : memref<!tpu.dma_semaphore, #tpu.memory_space<semaphore_mem>>
      %dma_start3A_39 = arith.constant 0 : i32
      %dma_start3A_40 = tpu.memref_slice %arg6[%arg0, %mul3A_0, %dma_start3A_39] : memref<2x10240x128xf32, #tpu.memory_space<hbm>> -> memref<1x640x128xf32, #tpu.memory_space<hbm>>
      %dma_start3A_41 = tpu.memref_squeeze %dma_start3A_40 : memref<1x640x128xf32, #tpu.memory_space<hbm>> -> memref<640x128xf32, #tpu.memory_space<hbm>>
      %dma_start3A_42 = arith.constant 0 : i32
      %dma_start3A_43 = tpu.memref_slice %arg17[%mul3A_0, %dma_start3A_42] : memref<10240x128xf32, #tpu.memory_space<vmem_shared>> -> memref<640x128xf32, #tpu.memory_space<vmem_shared>>
      tpu.enqueue_dma source(%dma_start3A_43 : memref<640x128xf32, #tpu.memory_space<vmem_shared>>) target(%dma_start3A_41 : memref<640x128xf32, #tpu.memory_space<hbm>>) target_semaphore(%run_scoped3A : memref<!tpu.dma_semaphore, #tpu.memory_space<semaphore_mem>>)
      %dma_wait3A_44 = arith.constant 0 : i32
      %dma_wait3A_45 = tpu.memref_slice %arg6[%arg0, %mul3A_0, %dma_wait3A_44] : memref<2x10240x128xf32, #tpu.memory_space<hbm>> -> memref<1x640x128xf32, #tpu.memory_space<hbm>>
      %dma_wait3A_46 = tpu.memref_squeeze %dma_wait3A_45 : memref<1x640x128xf32, #tpu.memory_space<hbm>> -> memref<640x128xf32, #tpu.memory_space<hbm>>
      %dma_wait3A_47 = arith.constant 0 : i32
      %dma_wait3A_48 = tpu.memref_slice %arg17[%mul3A_0, %dma_wait3A_47] : memref<10240x128xf32, #tpu.memory_space<vmem_shared>> -> memref<640x128xf32, #tpu.memory_space<vmem_shared>>
      tpu.wait_dma2 semaphore(%run_scoped3A : memref<!tpu.dma_semaphore, #tpu.memory_space<semaphore_mem>>) src(%dma_wait3A_48 : memref<640x128xf32, #tpu.memory_space<vmem_shared>>) dst(%dma_wait3A_46 : memref<640x128xf32, #tpu.memory_space<hbm>>)
      tpu.yield
    }) : () -> ()
    return
  }
}

module attributes {stable_mosaic.version = 14 : i64} {
  func.func @_mm_scale_body(%arg0: i32, %arg1: memref<2000x128xf32, #tpu.memory_space<vmem>>, %arg2: memref<128x128xf32, #tpu.memory_space<vmem>>, %arg3: memref<2000x1xf32, #tpu.memory_space<vmem>>, %arg4: memref<2000x1xf32, #tpu.memory_space<vmem>>, %arg5: memref<2000x128xf32, #tpu.memory_space<vmem>>, %arg6: memref<2000x1xf32, #tpu.memory_space<vmem>>) attributes {dimension_semantics = [#tpu.dimension_semantics<arbitrary>], iteration_bounds = array<i64: 5>, scalar_prefetch = 0 : i64, scratch_operands = 0 : i64, tpu.core_type = #tpu.core_type<tc>, window_params = [{transform_indices = @transform_0, window_bounds = array<i64: 2000, 128>}, {pipeline_mode = #tpu.pipeline_mode<synchronous>, transform_indices = @transform_1, window_bounds = array<i64: 128, 128>}, {transform_indices = @transform_2, window_bounds = array<i64: 2000, 1>}, {transform_indices = @transform_3, window_bounds = array<i64: 2000, 1>}, {transform_indices = @transform_4, window_bounds = array<i64: 2000, 128>}, {transform_indices = @transform_5, window_bounds = array<i64: 2000, 1>}]} {
    %get3A = arith.constant 0 : index
    %get3A_0 = arith.constant 0 : index
    %get3A_1 = vector.load %arg3[%get3A, %get3A_0] : memref<2000x1xf32, #tpu.memory_space<vmem>>, vector<2000x1xf32>
    %get3A_2 = arith.constant 0 : index
    %get3A_3 = arith.constant 0 : index
    %get3A_4 = vector.load %arg4[%get3A_2, %get3A_3] : memref<2000x1xf32, #tpu.memory_space<vmem>>, vector<2000x1xf32>
    %add3A = arith.addf %get3A_1, %get3A_4 : vector<2000x1xf32>
    %add3A_5 = arith.constant 1.000000e+00 : f32
    %add3A_6 = vector.broadcast %add3A_5 : f32 to vector<2000x1xf32>
    %add3A_7 = arith.addf %add3A, %add3A_6 : vector<2000x1xf32>
    %rsqrt3A = math.rsqrt %add3A_7 : vector<2000x1xf32>
    %swap3A = arith.constant 0 : index
    %swap3A_8 = arith.constant 0 : index
    %swap3A_9 = vector.load %arg6[%swap3A, %swap3A_8] : memref<2000x1xf32, #tpu.memory_space<vmem>>, vector<2000x1xf32>
    tpu.vector_store %arg6[%swap3A, %swap3A_8], %rsqrt3A {strides = array<i32>} : memref<2000x1xf32, #tpu.memory_space<vmem>>, vector<2000x1xf32>,
    %get3A_10 = arith.constant 0 : index
    %get3A_11 = arith.constant 0 : index
    %get3A_12 = vector.load %arg1[%get3A_10, %get3A_11] : memref<2000x128xf32, #tpu.memory_space<vmem>>, vector<2000x128xf32>
    %get3A_13 = arith.constant 0 : index
    %get3A_14 = arith.constant 0 : index
    %get3A_15 = vector.load %arg2[%get3A_13, %get3A_14] : memref<128x128xf32, #tpu.memory_space<vmem>>, vector<128x128xf32>
    %dot_general3A = arith.constant dense<0.000000e+00> : vector<2000x128xf32>
    %dot_general3A_16 = tpu.matmul %get3A_12, %get3A_15, %dot_general3A {dimension_numbers = #tpu.dot_dimension_numbers<[1], [0], [0], [1], [0, 0, 1, 1], [], []>, transpose_lhs_hint = false} : vector<2000x128xf32>, vector<128x128xf32>, vector<2000x128xf32> -> vector<2000x128xf32>
    %mul3A = vector.broadcast %rsqrt3A : vector<2000x1xf32> to vector<2000x128xf32>
    %mul3A_17 = arith.mulf %dot_general3A_16, %mul3A : vector<2000x128xf32>
    %swap3A_18 = arith.constant 0 : index
    %swap3A_19 = arith.constant 0 : index
    %swap3A_20 = vector.load %arg5[%swap3A_18, %swap3A_19] : memref<2000x128xf32, #tpu.memory_space<vmem>>, vector<2000x128xf32>
    tpu.vector_store %arg5[%swap3A_18, %swap3A_19], %mul3A_17 {strides = array<i32>} : memref<2000x128xf32, #tpu.memory_space<vmem>>, vector<2000x128xf32>,
    return
  }
  func.func @transform_0(%arg0: i32) -> (i32, i32) {
    %c0_i32 = arith.constant 0 : i32
    %c0_i32_0 = arith.constant 0 : i32
    return %arg0, %c0_i32 : i32, i32
  }
  func.func @transform_1(%arg0: i32) -> (i32, i32) {
    %c0_i32 = arith.constant 0 : i32
    %c0_i32_0 = arith.constant 0 : i32
    %c0_i32_1 = arith.constant 0 : i32
    return %c0_i32, %c0_i32_0 : i32, i32
  }
  func.func @transform_2(%arg0: i32) -> (i32, i32) {
    %c0_i32 = arith.constant 0 : i32
    %c0_i32_0 = arith.constant 0 : i32
    return %arg0, %c0_i32 : i32, i32
  }
  func.func @transform_3(%arg0: i32) -> (i32, i32) {
    %c0_i32 = arith.constant 0 : i32
    %c0_i32_0 = arith.constant 0 : i32
    return %arg0, %c0_i32 : i32, i32
  }
  func.func @transform_4(%arg0: i32) -> (i32, i32) {
    %c0_i32 = arith.constant 0 : i32
    %c0_i32_0 = arith.constant 0 : i32
    return %arg0, %c0_i32 : i32, i32
  }
  func.func @transform_5(%arg0: i32) -> (i32, i32) {
    %c0_i32 = arith.constant 0 : i32
    %c0_i32_0 = arith.constant 0 : i32
    return %arg0, %c0_i32 : i32, i32
  }
}

module attributes {stable_mosaic.version = 14 : i64} {
  func.func @_layer2_body(%arg0: i32, %arg1: memref<1x2000x128xf32, #tpu.memory_space<vmem>>, %arg2: memref<1x2000x128xf32, #tpu.memory_space<vmem>>, %arg3: memref<2000x128xf32, #tpu.memory_space<vmem>>, %arg4: memref<2000x1xf32, #tpu.memory_space<vmem>>, %arg5: memref<128x128xf32, #tpu.memory_space<vmem>>, %arg6: memref<1x128xf32, #tpu.memory_space<vmem>>, %arg7: memref<2000x128xf32, #tpu.memory_space<vmem>>) attributes {dimension_semantics = [#tpu.dimension_semantics<arbitrary>], iteration_bounds = array<i64: 5>, scalar_prefetch = 0 : i64, scratch_operands = 0 : i64, tpu.core_type = #tpu.core_type<tc>, window_params = [{transform_indices = @transform_0, window_bounds = array<i64: 1, 2000, 128>}, {transform_indices = @transform_1, window_bounds = array<i64: 1, 2000, 128>}, {transform_indices = @transform_2, window_bounds = array<i64: 2000, 128>}, {transform_indices = @transform_3, window_bounds = array<i64: 2000, 1>}, {pipeline_mode = #tpu.pipeline_mode<synchronous>, transform_indices = @transform_4, window_bounds = array<i64: 128, 128>}, {pipeline_mode = #tpu.pipeline_mode<synchronous>, transform_indices = @transform_5, window_bounds = array<i64: 1, 128>}, {transform_indices = @transform_6, window_bounds = array<i64: 2000, 128>}]} {
    %get3A = arith.constant 0 : index
    %get3A_0 = arith.constant 0 : index
    %get3A_1 = vector.load %arg4[%get3A, %get3A_0] : memref<2000x1xf32, #tpu.memory_space<vmem>>, vector<2000x1xf32>
    %get3A_2 = arith.constant 0 : index
    %get3A_3 = arith.constant 0 : index
    %get3A_4 = arith.constant 0 : index
    %get3A_5 = vector.load %arg1[%get3A_2, %get3A_3, %get3A_4] : memref<1x2000x128xf32, #tpu.memory_space<vmem>>, vector<1x2000x128xf32>
    %get3A_6 = vector.shape_cast %get3A_5 : vector<1x2000x128xf32> to vector<2000x128xf32>
    %get3A_7 = arith.constant 0 : index
    %get3A_8 = arith.constant 0 : index
    %get3A_9 = arith.constant 0 : index
    %get3A_10 = vector.load %arg2[%get3A_7, %get3A_8, %get3A_9] : memref<1x2000x128xf32, #tpu.memory_space<vmem>>, vector<1x2000x128xf32>
    %get3A_11 = vector.shape_cast %get3A_10 : vector<1x2000x128xf32> to vector<2000x128xf32>
    %add3A = arith.addf %get3A_6, %get3A_11 : vector<2000x128xf32>
    %get3A_12 = arith.constant 0 : index
    %get3A_13 = arith.constant 0 : index
    %get3A_14 = vector.load %arg3[%get3A_12, %get3A_13] : memref<2000x128xf32, #tpu.memory_space<vmem>>, vector<2000x128xf32>
    %add3A_15 = arith.addf %add3A, %get3A_14 : vector<2000x128xf32>
    %mul3A = vector.broadcast %get3A_1 : vector<2000x1xf32> to vector<2000x128xf32>
    %mul3A_16 = arith.mulf %mul3A, %add3A_15 : vector<2000x128xf32>
    %get3A_17 = arith.constant 0 : index
    %get3A_18 = arith.constant 0 : index
    %get3A_19 = vector.load %arg6[%get3A_17, %get3A_18] : memref<1x128xf32, #tpu.memory_space<vmem>>, vector<1x128xf32>
    %add3A_20 = vector.broadcast %get3A_19 : vector<1x128xf32> to vector<2000x128xf32>
    %add3A_21 = arith.addf %mul3A_16, %add3A_20 : vector<2000x128xf32>
    %mul3A_22 = arith.constant 5.000000e-01 : f32
    %mul3A_23 = vector.broadcast %mul3A_22 : f32 to vector<2000x128xf32>
    %mul3A_24 = arith.mulf %add3A_21, %mul3A_23 : vector<2000x128xf32>
    %mul3A_25 = arith.constant 0.707106769 : f32
    %mul3A_26 = vector.broadcast %mul3A_25 : f32 to vector<2000x128xf32>
    %mul3A_27 = arith.mulf %add3A_21, %mul3A_26 : vector<2000x128xf32>
    %erf3A = math.erf %mul3A_27 : vector<2000x128xf32>
    %add3A_28 = arith.constant 1.000000e+00 : f32
    %add3A_29 = vector.broadcast %add3A_28 : f32 to vector<2000x128xf32>
    %add3A_30 = arith.addf %add3A_29, %erf3A : vector<2000x128xf32>
    %mul3A_31 = arith.mulf %mul3A_24, %add3A_30 : vector<2000x128xf32>
    %get3A_32 = arith.constant 0 : index
    %get3A_33 = arith.constant 0 : index
    %get3A_34 = vector.load %arg5[%get3A_32, %get3A_33] : memref<128x128xf32, #tpu.memory_space<vmem>>, vector<128x128xf32>
    %dot_general3A = arith.constant dense<0.000000e+00> : vector<2000x128xf32>
    %dot_general3A_35 = tpu.matmul %mul3A_31, %get3A_34, %dot_general3A {dimension_numbers = #tpu.dot_dimension_numbers<[1], [0], [0], [1], [0, 0, 1, 1], [], []>, transpose_lhs_hint = false} : vector<2000x128xf32>, vector<128x128xf32>, vector<2000x128xf32> -> vector<2000x128xf32>
    %get3A_36 = arith.constant 0 : index
    %get3A_37 = arith.constant 0 : index
    %get3A_38 = vector.load %arg4[%get3A_36, %get3A_37] : memref<2000x1xf32, #tpu.memory_space<vmem>>, vector<2000x1xf32>
    %mul3A_39 = vector.broadcast %get3A_38 : vector<2000x1xf32> to vector<2000x128xf32>
    %mul3A_40 = arith.mulf %dot_general3A_35, %mul3A_39 : vector<2000x128xf32>
    %swap3A = arith.constant 0 : index
    %swap3A_41 = arith.constant 0 : index
    %swap3A_42 = vector.load %arg7[%swap3A, %swap3A_41] : memref<2000x128xf32, #tpu.memory_space<vmem>>, vector<2000x128xf32>
    tpu.vector_store %arg7[%swap3A, %swap3A_41], %mul3A_40 {strides = array<i32>} : memref<2000x128xf32, #tpu.memory_space<vmem>>, vector<2000x128xf32>,
    return
  }
  func.func @transform_0(%arg0: i32) -> (i32, i32, i32) {
    %c0_i32 = arith.constant 0 : i32
    %c0_i32_0 = arith.constant 0 : i32
    %c0_i32_1 = arith.constant 0 : i32
    return %c0_i32, %arg0, %c0_i32_0 : i32, i32, i32
  }
  func.func @transform_1(%arg0: i32) -> (i32, i32, i32) {
    %c1_i32 = arith.constant 1 : i32
    %c0_i32 = arith.constant 0 : i32
    %c0_i32_0 = arith.constant 0 : i32
    return %c1_i32, %arg0, %c0_i32 : i32, i32, i32
  }
  func.func @transform_2(%arg0: i32) -> (i32, i32) {
    %c0_i32 = arith.constant 0 : i32
    %c0_i32_0 = arith.constant 0 : i32
    return %arg0, %c0_i32 : i32, i32
  }
  func.func @transform_3(%arg0: i32) -> (i32, i32) {
    %c0_i32 = arith.constant 0 : i32
    %c0_i32_0 = arith.constant 0 : i32
    return %arg0, %c0_i32 : i32, i32
  }
  func.func @transform_4(%arg0: i32) -> (i32, i32) {
    %c0_i32 = arith.constant 0 : i32
    %c0_i32_0 = arith.constant 0 : i32
    %c0_i32_1 = arith.constant 0 : i32
    return %c0_i32, %c0_i32_0 : i32, i32
  }
  func.func @transform_5(%arg0: i32) -> (i32, i32) {
    %c0_i32 = arith.constant 0 : i32
    %c0_i32_0 = arith.constant 0 : i32
    %c0_i32_1 = arith.constant 0 : i32
    return %c0_i32, %c0_i32_0 : i32, i32
  }
  func.func @transform_6(%arg0: i32) -> (i32, i32) {
    %c0_i32 = arith.constant 0 : i32
    %c0_i32_0 = arith.constant 0 : i32
    return %arg0, %c0_i32 : i32, i32
  }
}

module attributes {stable_mosaic.version = 14 : i64} {
  func.func @_final_body(%arg0: i32, %arg1: memref<1x2000x128xf32, #tpu.memory_space<vmem>>, %arg2: memref<1x2000x128xf32, #tpu.memory_space<vmem>>, %arg3: memref<2000x128xf32, #tpu.memory_space<vmem>>, %arg4: memref<2000x1xf32, #tpu.memory_space<vmem>>, %arg5: memref<1x128xf32, #tpu.memory_space<vmem>>, %arg6: memref<2000x128xf32, #tpu.memory_space<vmem>>) attributes {dimension_semantics = [#tpu.dimension_semantics<arbitrary>], iteration_bounds = array<i64: 5>, scalar_prefetch = 0 : i64, scratch_operands = 0 : i64, tpu.core_type = #tpu.core_type<tc>, window_params = [{transform_indices = @transform_0, window_bounds = array<i64: 1, 2000, 128>}, {transform_indices = @transform_1, window_bounds = array<i64: 1, 2000, 128>}, {transform_indices = @transform_2, window_bounds = array<i64: 2000, 128>}, {transform_indices = @transform_3, window_bounds = array<i64: 2000, 1>}, {pipeline_mode = #tpu.pipeline_mode<synchronous>, transform_indices = @transform_4, window_bounds = array<i64: 1, 128>}, {transform_indices = @transform_5, window_bounds = array<i64: 2000, 128>}]} {
    %get3A = arith.constant 0 : index
    %get3A_0 = arith.constant 0 : index
    %get3A_1 = vector.load %arg4[%get3A, %get3A_0] : memref<2000x1xf32, #tpu.memory_space<vmem>>, vector<2000x1xf32>
    %get3A_2 = arith.constant 0 : index
    %get3A_3 = arith.constant 0 : index
    %get3A_4 = arith.constant 0 : index
    %get3A_5 = vector.load %arg1[%get3A_2, %get3A_3, %get3A_4] : memref<1x2000x128xf32, #tpu.memory_space<vmem>>, vector<1x2000x128xf32>
    %get3A_6 = vector.shape_cast %get3A_5 : vector<1x2000x128xf32> to vector<2000x128xf32>
    %get3A_7 = arith.constant 0 : index
    %get3A_8 = arith.constant 0 : index
    %get3A_9 = arith.constant 0 : index
    %get3A_10 = vector.load %arg2[%get3A_7, %get3A_8, %get3A_9] : memref<1x2000x128xf32, #tpu.memory_space<vmem>>, vector<1x2000x128xf32>
    %get3A_11 = vector.shape_cast %get3A_10 : vector<1x2000x128xf32> to vector<2000x128xf32>
    %add3A = arith.addf %get3A_6, %get3A_11 : vector<2000x128xf32>
    %get3A_12 = arith.constant 0 : index
    %get3A_13 = arith.constant 0 : index
    %get3A_14 = vector.load %arg3[%get3A_12, %get3A_13] : memref<2000x128xf32, #tpu.memory_space<vmem>>, vector<2000x128xf32>
    %add3A_15 = arith.addf %add3A, %get3A_14 : vector<2000x128xf32>
    %mul3A = vector.broadcast %get3A_1 : vector<2000x1xf32> to vector<2000x128xf32>
    %mul3A_16 = arith.mulf %mul3A, %add3A_15 : vector<2000x128xf32>
    %get3A_17 = arith.constant 0 : index
    %get3A_18 = arith.constant 0 : index
    %get3A_19 = vector.load %arg5[%get3A_17, %get3A_18] : memref<1x128xf32, #tpu.memory_space<vmem>>, vector<1x128xf32>
    %add3A_20 = vector.broadcast %get3A_19 : vector<1x128xf32> to vector<2000x128xf32>
    %add3A_21 = arith.addf %mul3A_16, %add3A_20 : vector<2000x128xf32>
    %swap3A = arith.constant 0 : index
    %swap3A_22 = arith.constant 0 : index
    %swap3A_23 = vector.load %arg6[%swap3A, %swap3A_22] : memref<2000x128xf32, #tpu.memory_space<vmem>>, vector<2000x128xf32>
    tpu.vector_store %arg6[%swap3A, %swap3A_22], %add3A_21 {strides = array<i32>} : memref<2000x128xf32, #tpu.memory_space<vmem>>, vector<2000x128xf32>,
    return
  }
  func.func @transform_0(%arg0: i32) -> (i32, i32, i32) {
    %c0_i32 = arith.constant 0 : i32
    %c0_i32_0 = arith.constant 0 : i32
    %c0_i32_1 = arith.constant 0 : i32
    return %c0_i32, %arg0, %c0_i32_0 : i32, i32, i32
  }
  func.func @transform_1(%arg0: i32) -> (i32, i32, i32) {
    %c1_i32 = arith.constant 1 : i32
    %c0_i32 = arith.constant 0 : i32
    %c0_i32_0 = arith.constant 0 : i32
    return %c1_i32, %arg0, %c0_i32 : i32, i32, i32
  }
  func.func @transform_2(%arg0: i32) -> (i32, i32) {
    %c0_i32 = arith.constant 0 : i32
    %c0_i32_0 = arith.constant 0 : i32
    return %arg0, %c0_i32 : i32, i32
  }
  func.func @transform_3(%arg0: i32) -> (i32, i32) {
    %c0_i32 = arith.constant 0 : i32
    %c0_i32_0 = arith.constant 0 : i32
    return %arg0, %c0_i32 : i32, i32
  }
  func.func @transform_4(%arg0: i32) -> (i32, i32) {
    %c0_i32 = arith.constant 0 : i32
    %c0_i32_0 = arith.constant 0 : i32
    %c0_i32_1 = arith.constant 0 : i32
    return %c0_i32, %c0_i32_0 : i32, i32
  }
  func.func @transform_5(%arg0: i32) -> (i32, i32) {
    %c0_i32 = arith.constant 0 : i32
    %c0_i32_0 = arith.constant 0 : i32
    return %arg0, %c0_i32 : i32, i32
  }
}

</mosaic_0001>

<sc_bundles>
// kernel: kernel.11.cloned.1.call-start
scs
__scs_entry_jumppad:
0x0: {  	(pc) =	sbr.rel $0x88, $3  }
0x1: {  	(tag) =	ssettag $0x0;
	lr =	simm.s32 $0x1  }
0x2: {  	[smem:$0x3F9B] =	sst lr;
	_ =	strace $0xD0000000  }
0x3: {  	_ = 	snop  }
0x4: {  	_ = 	snop  }
0x5: {  	_ = 	snop  }
0x6: {  	_ = 	snop  }
0x7: {  	_ = 	snop  }
__scs_overlays_trampoline_lowered:
0x8: {  	[smem:$0x3FAA] =	sst s0  }
0x9: {  	[smem:$0x3FAB] =	sst s1  }
0xa: {  	[smem:$0x3FAC] =	sst s2  }
0xb: {  	[smem:$0x3FAD] =	sst s3  }
0xc: {  	[smem:$0x3FAE] =	sst s4  }
0xd: {  	[smem:$0x3FAF] =	sst s5  }
0xe: {  	[smem:$0x3FB0] =	sst s6  }
0xf: {  	[smem:$0x3FB1] =	sst s7  }
0x10: {  	[smem:$0x3FB2] =	sst s8  }
0x11: {  	[smem:$0x3FB3] =	sst s9;
	s0 =	simm.s32 @!p0 $0x0  }
0x12: {  	s1 =	sld [smem:$0x3F99];
	s0 =	simm.s32 @p0 $0x1  }
0x13: {  	[smem:$0x3FB4] =	sst s0;
	s0 =	simm.s32 @!p1 $0x0  }
0x14: {  	s2 =	sld [smem:$0x3F98];
	s0 =	simm.s32 @p1 $0x1  }
0x15: {  	[smem:$0x3FB5] =	sst s0;
	s0 =	simm.s32 @!p2 $0x0  }
0x16: {  	s3 =	sld [smem:$0x3FDB];
	s0 =	simm.s32 @p2 $0x1  }
0x17: {  	s4 =	simm.s32 $0x1BF5;
	[smem:$0x3FB7] =	sst s0  }
0x18: {  	s0 =	sld [smem:$0x3F9A];
	_ =	swait.ge [sflag:s4], $0x0  }
0x19: {  	s7 =	sld [smem:$0x3F9B]  }
0x1a: {  	s8 =	sadd.s32 $0xFFFFE003, lr  }
0x1b: {  	s9 =	sadd.s32 $0xFFFFFEF7, lr;
	s5 =	simm.s32 $0xFFFFFFFF;
	p2 =	slt.u32 s8, $0xFFFFF086  }
0x1c: {  	p1 =	slt.u32 s9, $0xF7A;
	s5 =	simm.s32 @!p2 $0x0  }
0x1d: {  	s5 =	simm.s32 @p1 $0x1;
	p0 =	seq.s32 s7, s2  }
0x1e: {  	s7 =	smul.u32 @!p0 $0xF7A, s2;
	p2 =	seq.s32 @!p0 s5, $0x0  }
0x1f: {  	s9 =	smul.u32 $0xF7A, s1;
	s8 =	simm.s32 @!p0 $0x1BF5;
	p2 =	por !p2, p0  }
0x20: {  	[sflag:s8] =	ssyncset.s32 @!p0 $0xFFFFF086;
	s6 =	sadd.s32 @!p0 s3, s7;
	s7 =	simm.s32 @!p0 $0x108  }
0x21: {  	s3 =	sadd.s32 s3, s9;
	s6 =	sadd.s32 @!p0 $0x88, s6;
	s7 =	simm.s32 @p2 $0x1082  }
0x22: {  	[simem:s7], [sflag:s8] =	dma.local @!p0 [hbm:s6], $0xF7A  }
0x23: {  	s9 =	sor.u32 $0xD0000000, s2;
	s6 =	simm.s32 $0x108;
	_ =	swait.ge @!p0 [sflag:s8], $0x0  }
0x24: {  	s3 =	sadd.s32 $0x88, s3;
	s6 =	simm.s32 @!p1 $0x1082;
	[sflag:s4] =	ssyncset.s32 $0xFFFFF086  }
0x25: {  	[simem:s6], [sflag:s4] =	dma.local [hbm:s3], $0xF7A  }
0x26: {  	[smem:$0x3F9B] =	sst s1;
	(tag) =	ssettag s2;
	_ =	strace s9  }
0x27: {  	s1 =	sld [smem:$0x3FAB]  }
0x28: {  	s2 =	sld [smem:$0x3FAC]  }
0x29: {  	s4 =	sld [smem:$0x3FAE]  }
0x2a: {  	p0 =	seq.s32 s5, $0x0;
	s5 =	sld [smem:$0x3FAF]  }
0x2b: {  	s6 =	sld [smem:$0x3FB0]  }
0x2c: {  	s7 =	sld [smem:$0x3FB1]  }
0x2d: {  	s3 =	simm.s32 $0x108;
	s8 =	sld [smem:$0x3FB2]  }
0x2e: {  	s3 =	simm.s32 @!p0 $0x1082;
	s9 =	sld [smem:$0x3FB3]  }
0x2f: {  	lr =	sadd.s32 s0, s3;
	s0 =	sld [smem:$0x3FAA]  }
0x30: {  	s3 =	sld [smem:$0x3FAD]  }
0x31: {  	[smem:$0x3FB6] =	sst s10  }
0x32: {  	s10 =	sld [smem:$0x3FB4];
	_ =	sdelay $0x3  }
0x33: {  	p0 =	seq.s32 s10, $0x1;
	s10 =	sld [smem:$0x3FB6];
	_ =	sdelay $0x3  }
0x34: {  	[smem:$0x3FB6] =	sst s10  }
0x35: {  	s10 =	sld [smem:$0x3FB5];
	_ =	sdelay $0x3  }
0x36: {  	p1 =	seq.s32 s10, $0x1;
	s10 =	sld [smem:$0x3FB6];
	_ =	sdelay $0x3  }
0x37: {  	[smem:$0x3FB6] =	sst s10  }
0x38: {  	s10 =	sld [smem:$0x3FB7]  }
0x39: {  	_ = 	snop;
	(pc) =	sbr.ind lr, $3  }
0x3a: {  	_ = 	snop  }
0x3b: {  	_ = 	snop  }
0x3c: {  	p2 =	seq.s32 s10, $0x1;
	s10 =	sld [smem:$0x3FB6]  }
0x3d: {  	_ =	shalt  }
0x3e: {  	_ =	shalt  }
0x3f: {  	_ =	shalt  }
0x40: {  	_ =	shalt  }
0x41: {  	_ =	shalt  }
0x42: {  	_ =	shalt  }
0x43: {  	_ =	shalt  }
0x44: {  	_ =	shalt  }
0x45: {  	_ =	shalt  }
0x46: {  	_ =	shalt  }
0x47: {  	_ =	shalt  }
0x48: {  	_ =	shalt  }
0x49: {  	_ =	shalt  }
0x4a: {  	_ =	shalt  }
0x4b: {  	_ =	shalt  }
0x4c: {  	_ =	shalt  }
0x4d: {  	_ =	shalt  }
0x4e: {  	_ =	shalt  }
0x4f: {  	_ =	shalt  }
0x50: {  	_ =	shalt  }
0x51: {  	_ =	shalt  }
0x52: {  	_ =	shalt  }
0x53: {  	_ =	shalt  }
0x54: {  	_ =	shalt  }
0x55: {  	_ =	shalt  }
0x56: {  	_ =	shalt  }
0x57: {  	_ =	shalt  }
0x58: {  	_ =	shalt  }
0x59: {  	_ =	shalt  }
0x5a: {  	_ =	shalt  }
0x5b: {  	_ =	shalt  }
0x5c: {  	_ =	shalt  }
0x5d: {  	_ =	shalt  }
0x5e: {  	_ =	shalt  }
0x5f: {  	_ =	shalt  }
0x60: {  	_ =	shalt  }
0x61: {  	_ =	shalt  }
0x62: {  	_ =	shalt  }
0x63: {  	_ =	shalt  }
0x64: {  	_ =	shalt  }
0x65: {  	_ =	shalt  }
0x66: {  	_ =	shalt  }
0x67: {  	_ =	shalt  }
0x68: {  	_ =	shalt  }
0x69: {  	_ =	shalt  }
0x6a: {  	_ =	shalt  }
0x6b: {  	_ =	shalt  }
0x6c: {  	_ =	shalt  }
0x6d: {  	_ =	shalt  }
0x6e: {  	_ =	shalt  }
0x6f: {  	_ =	shalt  }
0x70: {  	_ =	shalt  }
0x71: {  	_ =	shalt  }
0x72: {  	_ =	shalt  }
0x73: {  	_ =	shalt  }
0x74: {  	_ =	shalt  }
0x75: {  	_ =	shalt  }
0x76: {  	_ =	shalt  }
0x77: {  	_ =	shalt  }
0x78: {  	_ =	shalt  }
0x79: {  	_ =	shalt  }
0x7a: {  	_ =	shalt  }
0x7b: {  	_ =	shalt  }
0x7c: {  	_ =	shalt  }
0x7d: {  	_ =	shalt  }
0x7e: {  	_ =	shalt  }
0x7f: {  	_ =	shalt  }
0x80: {  	_ =	shalt  }
0x81: {  	_ =	shalt  }
0x82: {  	_ =	shalt  }
0x83: {  	_ =	shalt  }
0x84: {  	_ =	shalt  }
0x85: {  	_ =	shalt  }
0x86: {  	_ =	shalt  }
0x87: {  	_ =	shalt  }
.Lfunc_end0:
.L_simem_size_0:
called_computation.1_lowered:
.L_overlay_start_0:
0x88: {  	s2 =	sld [smem:$0x3FD9]  }
0x89: {  	s3 =	sld [smem:$0x3FFE];
	_ =	sdelay $0x1  }
0x8a: {  	s1 =	srdreg.scid  }
0x8b: {  	s0 =	sand.u32 $0x1, s1  }
0x8c: {  	s17 =	sshll.u32 s0, $0xA;
	s2 =	sadd.s32 s3, s2  }
0x8d: {  	s2 =	sadd.s32 s2, s17  }
0x8e: {  	[smem:$0x3FC2] =	sst s2  }
0x8f: {  	_ = 	snop  }
0x90: {  	s2 =	sld [smem:$0x3FD0];
	(tm) =	ssettm $0x1  }
0x91: {  	s18 =	sld [smem:$0x3FFB];
	_ =	sdelay $0x3  }
0x92: {  	_ =	strace s18  }
0x93: {  	s3 =	sld [smem:$0x3FFC];
	_ =	sdelay $0x3  }
0x94: {  	_ =	strace s3  }
0x95: {  	s3 =	sld [smem:$0x3FFD];
	_ =	sdelay $0x3  }
0x96: {  	_ =	strace s3  }
0x97: {  	_ =	strace $0x8FFFFFFF  }
0x98: {  	s19 =	sld [smem:$0x3FDB];
	_ =	sdelay $0x1  }
0x99: {  	s4 =	simm.s32 $_scs_section_size  }
0x9a: {  	s5 =	simm.s32 $_size__tile_overlayer_lowered;
	s6 =	simm.s32 $_tile_overlayer_lowered  }
0x9b: {  	s22 =	simm.s32 $0x1BFF;
	s21 =	sshll.u32 s6, $0x1;
	s3 =	sadd.s32 s4, s19  }
0x9c: {  	s7 =	simm.s32 $0x0;
	s20 =	sshll.u32 s5, $0x1;
	s5 =	sadd.s32 s21, s3  }
0x9d: {  	[timem:s7], [sflag:s22] =	dma.local [hbm:s5], s20  }
0x9e: {  	_ =	swait.ge [sflag:s22], s20  }
0x9f: {  	s4 =	ssub.s32 $0x0, s20;
	[sflag:s22] =	ssyncset.done $0x0  }
0xa0: {  	[sflag:s22] =	ssyncadd.s32 s4;
	_ =	sdelay $0x1  }
0xa1: {  	s23 =	simm.s32 $0x1B8B  }
0xa2: {  	_ =	swait.ge [sflag:s23], $0x1  }
0xa3: {  	[sflag:s23] =	ssyncset.done $0x0  }
0xa4: {  	s25 =	simm.s32 $0x1B8E;
	s24 =	sld [smem:$0x3FFE];
	[sflag:s23] =	ssyncadd.s32 $0xFFFFFFFF  }
0xa5: {  	s26 =	simm.s32 $execute0_lowered;
	[smem:$0x3FD2] =	sst s25  }
0xa6: {  	s5 =	sshll.u32 s26, $0x1;
	_ =	strace $0x80000049;
	[dreg:$0x1] =	wrdreg $0xFFFFFFFF  }
0xa7: {  	s28 =	simm.s32 $_size_execute0_lowered;
	s3 =	sadd.s32 s3, s5;
	[dreg:$0x0] =	wrdreg $0x0  }
0xa8: {  	s5 =	sshll.u32 s28, $0x1;
	[dreg:$0x2] =	wrdreg s3  }
0xa9: {  	[dreg:$0x3] =	wrdreg s5  }
0xaa: {  	[dreg:$0x4] =	wrdreg $0xC0  }
0xab: {  	_ =	task [dreg:s7], $0x5FFFF  }
0xac: {  	[dreg:$0x1] =	wrdreg $0xFFFFFFFF  }
0xad: {  	[dreg:$0x0] =	wrdreg $0x60  }
0xae: {  	[dreg:$0x2] =	wrdreg s24  }
0xaf: {  	[dreg:$0x3] =	wrdreg s2  }
0xb0: {  	[dreg:$0x4] =	wrdreg $0x54000  }
0xb1: {  	[dreg:$0x5] =	wrdreg $0x9  }
0xb2: {  	_ =	task.clear_ibuf [dreg:s7], $0x6FFFF;
	_ =	strace $0x90000049  }
0xb3: {  	s29 =	simm.s32 $0x9;
	_ =	strace $0x8000004B  }
0xb4: {  	_ =	swait.ge [sflag:s29], $0x1  }
0xb5: {  	[sflag:s29] =	ssyncadd.s32 $0xFFFFFFFF  }
0xb6: {  	_ =	strace $0x9000004B  }
0xb7: {  	_ =	sfence  }
0xb8: {  	s30 =	sld [smem:$0x0];
	_ =	sdelay $0x2  }
0xb9: {  	s31 =	sshll.u32 s1, $0xD;
	s1 =	sshrl.u32 s1, $0x2  }
0xba: {  	s3 =	sand.u32 $0x4000, s31;
	s1 =	sadd.s32 s1, s30  }
0xbb: {  	s0 =	sor.u32 s3, s0;
	s1 =	sshll.u32 s1, $0x11  }
0xbc: {  	s0 =	sor.u32 s1, s0  }
0xbd: {  	s0 =	sadd.s32 $0x8F2B, s0  }
0xbe: {  	[sflag:s0] =	ssyncadd.remote.s32 $0x1  }
0xbf: {  	_ =	sfence.sel $0xFFFF  }
0xc0: {  	[dreg:$0x0] =	wrdreg $0xFFFFFFFF;
	(pc) =	sbr.abs _section_cstart, $3  }
0xc1: {  	[dreg:$0x1] =	wrdreg $0xFFFFFFFF  }
0xc2: {  	_ =	task.clear_ibuf [dreg:s7], $0x2FFFF;
	_ =	strace $0x9FFFFFFF  }
0xc3: {  	(tm) =	ssettm $0x7FFFFFFF  }
tec
execute0_lowered:
.L_overlay_start_1:
0x0: {  	(tag) =	ssettag $0x1  }
0x1: {  	s0 =	rddreg [dreg:$0x0]  }
0x2: {  	s1 =	rddreg [dreg:$0x1]  }
0x3: {  	s2 =	rddreg [dreg:$0x2];
	s3 =	srdreg.scid  }
0x4: {  	s4 =	simm.s32 $0x0;
	s12 =	stileid.u32;
	s28 =	simm.s32 $0x400  }
0x5: {  	s29 =	simm.s32 $0x5;
	s30 =	simm.s32 $0x2;
	s31 =	simm.s32 $0x2C00  }
0x6: {  	s3 =	sand.u32 $0x1, s3;
	[smem:$0x7FF] =	sst s4;
	s8 =	smul.u32 $0x14000, s12  }
0x7: {  	s5 =	sadd.s32 $0x2400, s0;
	s9 =	sshll.u32 s12, $0x1;
	s22 =	smul.u32 $0x4E20, s12  }
0x8: {  	s6 =	sadd.s32 $0xC200, s0;
	s10 =	sadd.s32 $0x16000, s0;
	s26 =	smul.u32 $0x50000, s12  }
0x9: {  	s18 =	sshll.u32 s12, $0x6;
	s7 =	smul.u32 $0x140000, s3;
	_ =	strace $0x8000004A  }
0xa: {  	s19 =	sor.u32 s3, s9;
	s20 =	ssub.s32 $0x2, s3;
	[dreg:$0xa] =	wrdreg s10  }
0xb: {  	s3 =	smul.u32 $0x2710, s3;
	s9 =	simm.s32 $0x4;
	s21 =	sshrl.u32 s20, $0x1  }
0xc: {  	s14 =	sshrl.u32 s26, $0x2;
	s7 =	sadd.s32 s8, s7;
	s8 =	smul.u32 $0x2710, s19  }
0xd: {  	s3 =	sadd.s32 s3, s22;
	s16 =	sadd.s32 s14, s2;
	s7 =	sshrl.u32 s7, $0x3  }
0xe: {  	s15 =	sadd.s32 $0x190, s3;
	[dreg:$0x11] =	wrdreg s16;
	s19 =	sadd.s32 $0x1E0, s3  }
0xf: {  	s22 =	sadd.s32 $0xF0, s3;
	s3 =	sadd.s32 $0x140, s3;
	s0 =	sadd.s32 s7, s0  }
0x10: {  	s7 =	ssub.s32 s20, s21;
	s8 =	sshrl.u32 s8, $0x3;
	s17 =	sshrl.u32 s15, $0x3  }
0x11: {  	s20 =	sshrl.u32 s19, $0x3;
	[dreg:$0x15] =	wrdreg s3;
	s23 =	sadd.s32 s5, s8  }
0x12: {  	s19 =	simm.s32 $0x200;
	s11 =	sadd.s32 s6, s8;
	[dreg:$0xb] =	wrdreg s23  }
0x13: {  	s3 =	simm.s32 $0x380;
	s21 =	sadd.s32 s20, s6;
	[dreg:$0xc] =	wrdreg s11  }
0x14: {  	s24 =	sadd.s32 $0xA, s8;
	s0 =	sadd.s32 $0x18800, s0;
	[dreg:$0x6] =	wrdreg s21  }
0x15: {  	s8 =	sadd.s32 $0x14, s8;
	s7 =	smax.u32 s7, $0x1;
	[dreg:$0x13] =	wrdreg s0  }
0x16: {  	s25 =	sadd.s32 s5, s24;
	s10 =	sadd.s32 s6, s24;
	[dreg:$0x14] =	wrdreg s7  }
0x17: {  	s13 =	sadd.s32 s5, s8;
	s8 =	sadd.s32 s6, s8;
	[dreg:$0xd] =	wrdreg s25  }
0x18: {  	s23 =	sadd.s32 s20, s5;
	s24 =	sshrl.u32 s22, $0x3;
	[dreg:$0xe] =	wrdreg s10  }
0x19: {  	s20 =	simm.s32 $0x80;
	s21 =	simm.s32 $0x280;
	[dreg:$0xf] =	wrdreg s13  }
0x1a: {  	s22 =	simm.s32 $0x100;
	s0 =	simm.s32 $0x180;
	[dreg:$0x10] =	wrdreg s8  }
0x1b: {  	s7 =	simm.s32 $0x6;
	s10 =	sadd.s32 s17, s6;
	[dreg:$0x7] =	wrdreg s23  }
0x1c: {  	s8 =	sadd.s32 s17, s5;
	s13 =	sor.u32 $0x1C07, s18;
	[dreg:$0x4] =	wrdreg s10  }
0x1d: {  	s25 =	sadd.s32 s24, s6;
	s26 =	sadd.s32 s24, s5;
	[dreg:$0x5] =	wrdreg s8  }
0x1e: {  	s23 =	simm.s32 $0x300;
	s24 =	simm.s32 $0x7;
	[dreg:$0x8] =	wrdreg s25  }
0x1f: {  	[dreg:$0x9] =	wrdreg s26;
	s25 =	simm.s32 $0x1;
	s26 =	simm.s32 $0x50  }
0x20: {  	s8 =	simm.s32 $0x3;
	s10 =	simm.s32 $0x0;
	[dreg:$0x12] =	wrdreg s13  }
.LBB2_1:
0x21: {  	s11 =	rddreg [dreg:$0xb]  }
0x22: {  	s14 =	rddreg [dreg:$0xc]  }
0x23: {  	s15 =	rddreg [dreg:$0xd]  }
0x24: {  	[tilespmem:s4], [sflag:$0x1] =	stream.linear.gather [hbm4b:s11+s4], $0x50, $0x38;
	[tilespmem:$0x19400] =	vst v63  }
0x25: {  	s16 =	rddreg [dreg:$0xe]  }
0x26: {  	[tilespmem:s19], [sflag:$0x1] =	stream.linear.gather [hbm4b:s14+s4], $0x50, $0x38;
	[tilespmem:$0x19400] =	vst v63  }
0x27: {  	s17 =	rddreg [dreg:$0xf]  }
0x28: {  	[tilespmem:s20], [sflag:$0x2] =	stream.linear.gather [hbm4b:s15+s4], $0x50, $0x38;
	[tilespmem:$0x19400] =	vst v63  }
0x29: {  	s18 =	rddreg [dreg:$0x10]  }
0x2a: {  	[tilespmem:s21], [sflag:$0x2] =	stream.linear.gather [hbm4b:s16+s4], $0x50, $0x38;
	[tilespmem:$0x19400] =	vst v63  }
0x2b: {  	s12 =	rddreg [dreg:$0x11]  }
0x2c: {  	[tilespmem:s22], [sflag:$0x3] =	stream.linear.gather [hbm4b:s17+s4], $0x50, $0x38;
	[tilespmem:$0x19400] =	vst v63  }
0x2d: {  	s11 =	sshrl.u32 s12, $0x3;
	s12 =	rddreg [dreg:$0xa]  }
0x2e: {  	[tilespmem:s23], [sflag:$0x3] =	stream.linear.gather [hbm4b:s18+s4], $0x50, $0x38;
	[tilespmem:$0x19400] =	vst v63  }
0x2f: {  	[spmem:s11], [sflag:s13] =	dma.local [hbm:s12], $0x2800  }
0x30: {  	_ =	swait.ge [sflag:s24], $0x2800  }
0x31: {  	[sflag:s24] =	ssyncset.done $0x0  }
0x32: {  	[sflag:s24] =	ssyncadd.s32 $0xFFFFD800  }
0x33: {  	[bflag:$0x0] =	sbarrier.arrive $0xFFFF  }
0x34: {  	_ =	swait.ge [sflag:s25], $0x50  }
0x35: {  	[sflag:s25] =	ssyncset.done $0x0  }
0x36: {  	[sflag:s25] =	ssyncadd.s32 $0xFFFFFFB0  }
0x37: {  	_ =	swait.ge [sflag:s25], $0x50  }
0x38: {  	[sflag:s25] =	ssyncset.done $0x0  }
0x39: {  	[sflag:s25] =	ssyncadd.s32 $0xFFFFFFB0  }
0x3a: {  	[tilespmem:s28], [sflag:$0x5] =	stream.indirect.gather [hbm4b:s1+s26], $0x80, s4, s26, $0xb8;
	[tilespmem:$0x19400] =	vst v63  }
0x3b: {  	_ =	swait.ge [sflag:s29], $0x2800  }
0x3c: {  	[sflag:s29] =	ssyncset.done $0x0  }
0x3d: {  	[sflag:s29] =	ssyncadd.s32 $0xFFFFD800  }
0x3e: {  	_ =	swait.ge [sflag:s30], $0x50  }
0x3f: {  	[sflag:s30] =	ssyncset.done $0x0  }
0x40: {  	[sflag:s30] =	ssyncadd.s32 $0xFFFFFFB0  }
0x41: {  	_ =	swait.ge [sflag:s30], $0x50  }
0x42: {  	[sflag:s30] =	ssyncset.done $0x0  }
0x43: {  	s13 =	rddreg [dreg:$0x9];
	[sflag:s30] =	ssyncadd.s32 $0xFFFFFFB0  }
0x44: {  	[tilespmem:s31], [sflag:$0x6] =	stream.indirect.gather [hbm4b:s1+s26], $0x80, s20, s26, $0xb8;
	[tilespmem:$0x19400] =	vst v63  }
0x45: {  	s14 =	rddreg [dreg:$0x8];
	s12 =	sadd.s32 $0x0, s13  }
0x46: {  	[tilespmem:s0], [sflag:$0x4] =	stream.linear.gather [hbm4b:s12+s4], $0x50, $0x38;
	[tilespmem:$0x19400] =	vst v63  }
0x47: {  	s14 =	sadd.s32 $0x0, s14  }
0x48: {  	[tilespmem:s3], [sflag:$0x4] =	stream.linear.gather [hbm4b:s14+s4], $0x50, $0x38;
	[tilespmem:$0x19400] =	vst v63  }
0x49: {  	_ = 	snop  }
0x4a: {  	[spmem:s2] =	stream.indirect.scatter.add.f32 [tilespmem:s28], [sflag:$0x7], $0x80, s19, s26, $0xb8;
	[tilespmem:$0x19400] =	vst v63  }
0x4b: {  	_ =	swait.ge [sflag:s24], $0x2800  }
0x4c: {  	[sflag:s24] =	ssyncset.done $0x0  }
0x4d: {  	[sflag:s24] =	ssyncadd.s32 $0xFFFFD800  }
0x4e: {  	_ =	swait.ge [sflag:s7], $0x2800  }
0x4f: {  	[sflag:s7] =	ssyncset.done $0x0  }
0x50: {  	[sflag:s7] =	ssyncadd.s32 $0xFFFFD800  }
0x51: {  	_ =	swait.ge [sflag:s8], $0x50  }
0x52: {  	[sflag:s8] =	ssyncset.done $0x0  }
0x53: {  	[sflag:s8] =	ssyncadd.s32 $0xFFFFFFB0  }
0x54: {  	_ =	swait.ge [sflag:s8], $0x50  }
0x55: {  	[sflag:s8] =	ssyncset.done $0x0;
	s15 =	rddreg [dreg:$0x15]  }
0x56: {  	[sflag:s8] =	ssyncadd.s32 $0xFFFFFFB0;
	s17 =	sshrl.u32 s15, $0x3  }
0x57: {  	[tilespmem:s28], [sflag:$0x5] =	stream.indirect.gather [hbm4b:s1+s26], $0x80, s22, s26, $0xb8;
	[tilespmem:$0x19400] =	vst v63  }
0x58: {  	s18 =	sadd.s32 s5, s17  }
0x59: {  	[tilespmem:s4], [sflag:$0x1] =	stream.linear.gather [hbm4b:s18+s4], $0x50, $0x38;
	[tilespmem:$0x19400] =	vst v63  }
0x5a: {  	s12 =	sadd.s32 s6, s17  }
0x5b: {  	[tilespmem:s19], [sflag:$0x1] =	stream.linear.gather [hbm4b:s12+s4], $0x50, $0x38;
	[tilespmem:$0x19400] =	vst v63  }
0x5c: {  	_ = 	snop  }
0x5d: {  	[spmem:s2] =	stream.indirect.scatter.add.f32 [tilespmem:s31], [sflag:$0x7], $0x80, s21, s26, $0xb8;
	[tilespmem:$0x19400] =	vst v63  }
0x5e: {  	_ =	swait.ge [sflag:s24], $0x2800  }
0x5f: {  	[sflag:s24] =	ssyncset.done $0x0  }
0x60: {  	[sflag:s24] =	ssyncadd.s32 $0xFFFFD800  }
0x61: {  	_ =	swait.ge [sflag:s29], $0x2800  }
0x62: {  	[sflag:s29] =	ssyncset.done $0x0  }
0x63: {  	[sflag:s29] =	ssyncadd.s32 $0xFFFFD800  }
0x64: {  	_ =	swait.ge [sflag:s9], $0x50  }
0x65: {  	[sflag:s9] =	ssyncset.done $0x0  }
0x66: {  	[sflag:s9] =	ssyncadd.s32 $0xFFFFFFB0  }
0x67: {  	_ =	swait.ge [sflag:s9], $0x50  }
0x68: {  	p0 =	por $0x0, $0x0;
	[sflag:s9] =	ssyncset.done $0x0  }
0x69: {  	s16 =	simm.s32 @!p0 $0x80;
	s12 =	rddreg [dreg:$0x5];
	[sflag:s9] =	ssyncadd.s32 $0xFFFFFFB0  }
0x6a: {  	[tilespmem:s31], [sflag:$0x6] =	stream.indirect.gather [hbm4b:s1+s26], $0x80, s0, s26, $0xb8;
	[tilespmem:$0x19400] =	vst v63  }
0x6b: {  	s18 =	simm.s32 @!p0 $0x0;
	s14 =	rddreg [dreg:$0x4];
	s12 =	sadd.s32 @!p0 $0x0, s12  }
0x6c: {  	[tilespmem:s16], [sflag:$0x2] =	stream.linear.gather @!p0 [hbm4b:s12+s18], $0x50, $0x38;
	[tilespmem:$0x19400] =	vst v63  }
0x6d: {  	s12 =	sadd.s32 @!p0 $0x0, s14;
	s14 =	simm.s32 @!p0 $0x280  }
0x6e: {  	[tilespmem:s14], [sflag:$0x2] =	stream.linear.gather @!p0 [hbm4b:s12+s18], $0x50, $0x38;
	[tilespmem:$0x19400] =	vst v63  }
0x6f: {  	_ = 	snop  }
0x70: {  	[spmem:s2] =	stream.indirect.scatter.add.f32 [tilespmem:s28], [sflag:$0x7], $0x80, s23, s26, $0xb8;
	[tilespmem:$0x19400] =	vst v63  }
0x71: {  	_ =	swait.ge [sflag:s24], $0x2800  }
0x72: {  	[sflag:s24] =	ssyncset.done $0x0  }
0x73: {  	[sflag:s24] =	ssyncadd.s32 $0xFFFFD800  }
0x74: {  	_ =	swait.ge [sflag:s7], $0x2800  }
0x75: {  	[sflag:s7] =	ssyncset.done $0x0  }
0x76: {  	[sflag:s7] =	ssyncadd.s32 $0xFFFFD800  }
0x77: {  	_ =	swait.ge [sflag:s25], $0x50  }
0x78: {  	[sflag:s25] =	ssyncset.done $0x0  }
0x79: {  	[sflag:s25] =	ssyncadd.s32 $0xFFFFFFB0  }
0x7a: {  	_ =	swait.ge [sflag:s25], $0x50  }
0x7b: {  	[sflag:s25] =	ssyncset.done $0x0  }
0x7c: {  	s12 =	rddreg [dreg:$0x7];
	[sflag:s25] =	ssyncadd.s32 $0xFFFFFFB0  }
0x7d: {  	[tilespmem:s28], [sflag:$0x5] =	stream.indirect.gather [hbm4b:s1+s26], $0x80, s4, s26, $0xb8;
	[tilespmem:$0x19400] =	vst v63  }
0x7e: {  	s16 =	simm.s32 @!p0 $0x100;
	s14 =	rddreg [dreg:$0x6];
	s12 =	sadd.s32 @!p0 $0x0, s12  }
0x7f: {  	[tilespmem:s16], [sflag:$0x3] =	stream.linear.gather @!p0 [hbm4b:s12+s18], $0x50, $0x38;
	[tilespmem:$0x19400] =	vst v63  }
0x80: {  	s12 =	sadd.s32 @!p0 $0x0, s14;
	s14 =	simm.s32 @!p0 $0x300  }
0x81: {  	[tilespmem:s14], [sflag:$0x3] =	stream.linear.gather @!p0 [hbm4b:s12+s18], $0x50, $0x38;
	[tilespmem:$0x19400] =	vst v63  }
0x82: {  	_ = 	snop  }
0x83: {  	[spmem:s2] =	stream.indirect.scatter.add.f32 [tilespmem:s31], [sflag:$0x7], $0x80, s3, s26, $0xb8;
	[tilespmem:$0x19400] =	vst v63  }
0x84: {  	_ =	swait.ge [sflag:s24], $0x2800  }
0x85: {  	s12 =	simm.s32 $0x28;
	s18 =	smov.u32 s15;
	[sflag:s24] =	ssyncset.done $0x0  }
.LBB2_2:
0x86: {  	[sflag:s24] =	ssyncadd.s32 $0xFFFFD800  }
0x87: {  	_ =	swait.ge [sflag:s29], $0x2800  }
0x88: {  	[sflag:s29] =	ssyncset.done $0x0  }
0x89: {  	[sflag:s29] =	ssyncadd.s32 $0xFFFFD800  }
0x8a: {  	_ =	swait.ge [sflag:s30], $0x50  }
0x8b: {  	[sflag:s30] =	ssyncset.done $0x0  }
0x8c: {  	[sflag:s30] =	ssyncadd.s32 $0xFFFFFFB0  }
0x8d: {  	_ =	swait.ge [sflag:s30], $0x50  }
0x8e: {  	[sflag:s30] =	ssyncset.done $0x0  }
0x8f: {  	s14 =	smov.u32 s12;
	s16 =	rddreg [dreg:$0x9];
	[sflag:s30] =	ssyncadd.s32 $0xFFFFFFB0  }
0x90: {  	[tilespmem:s31], [sflag:$0x6] =	stream.indirect.gather [hbm4b:s1+s26], $0x80, s20, s26, $0xb8;
	[tilespmem:$0x19400] =	vst v63  }
0x91: {  	s17 =	rddreg [dreg:$0x8];
	s16 =	sadd.s32 s14, s16  }
0x92: {  	[tilespmem:s0], [sflag:$0x4] =	stream.linear.gather [hbm4b:s16+s4], $0x50, $0x38;
	[tilespmem:$0x19400] =	vst v63  }
0x93: {  	s17 =	sadd.s32 s14, s17  }
0x94: {  	[tilespmem:s3], [sflag:$0x4] =	stream.linear.gather [hbm4b:s17+s4], $0x50, $0x38;
	[tilespmem:$0x19400] =	vst v63  }
0x95: {  	_ = 	snop  }
0x96: {  	[spmem:s2] =	stream.indirect.scatter.add.f32 [tilespmem:s28], [sflag:$0x7], $0x80, s19, s26, $0xb8;
	[tilespmem:$0x19400] =	vst v63  }
0x97: {  	_ =	swait.ge [sflag:s24], $0x2800  }
0x98: {  	[sflag:s24] =	ssyncset.done $0x0  }
0x99: {  	[sflag:s24] =	ssyncadd.s32 $0xFFFFD800  }
0x9a: {  	_ =	swait.ge [sflag:s7], $0x2800  }
0x9b: {  	[sflag:s7] =	ssyncset.done $0x0  }
0x9c: {  	[sflag:s7] =	ssyncadd.s32 $0xFFFFD800  }
0x9d: {  	_ =	swait.ge [sflag:s8], $0x50  }
0x9e: {  	[sflag:s8] =	ssyncset.done $0x0  }
0x9f: {  	[sflag:s8] =	ssyncadd.s32 $0xFFFFFFB0  }
0xa0: {  	_ =	swait.ge [sflag:s8], $0x50  }
0xa1: {  	s18 =	sadd.s32 $0x140, s18;
	[sflag:s8] =	ssyncset.done $0x0  }
0xa2: {  	s13 =	sshrl.u32 s18, $0x3;
	[sflag:s8] =	ssyncadd.s32 $0xFFFFFFB0  }
0xa3: {  	[tilespmem:s28], [sflag:$0x5] =	stream.indirect.gather [hbm4b:s1+s26], $0x80, s22, s26, $0xb8;
	[tilespmem:$0x19400] =	vst v63  }
0xa4: {  	s15 =	sadd.s32 s5, s13  }
0xa5: {  	[tilespmem:s4], [sflag:$0x1] =	stream.linear.gather [hbm4b:s15+s4], $0x50, $0x38;
	[tilespmem:$0x19400] =	vst v63  }
0xa6: {  	s16 =	sadd.s32 s6, s13  }
0xa7: {  	[tilespmem:s19], [sflag:$0x1] =	stream.linear.gather [hbm4b:s16+s4], $0x50, $0x38;
	[tilespmem:$0x19400] =	vst v63  }
0xa8: {  	_ = 	snop  }
0xa9: {  	[spmem:s2] =	stream.indirect.scatter.add.f32 [tilespmem:s31], [sflag:$0x7], $0x80, s21, s26, $0xb8;
	[tilespmem:$0x19400] =	vst v63  }
0xaa: {  	_ =	swait.ge [sflag:s24], $0x2800  }
0xab: {  	[sflag:s24] =	ssyncset.done $0x0  }
0xac: {  	[sflag:s24] =	ssyncadd.s32 $0xFFFFD800  }
0xad: {  	_ =	swait.ge [sflag:s29], $0x2800  }
0xae: {  	[sflag:s29] =	ssyncset.done $0x0  }
0xaf: {  	[sflag:s29] =	ssyncadd.s32 $0xFFFFD800  }
0xb0: {  	_ =	swait.ge [sflag:s9], $0x50  }
0xb1: {  	[sflag:s9] =	ssyncset.done $0x0  }
0xb2: {  	[sflag:s9] =	ssyncadd.s32 $0xFFFFFFB0  }
0xb3: {  	_ =	swait.ge [sflag:s9], $0x50  }
0xb4: {  	p1 =	seq.s32 s14, $0x4B0;
	[sflag:s9] =	ssyncset.done $0x0  }
0xb5: {  	s13 =	simm.s32 @!p1 $0x80;
	s16 =	rddreg [dreg:$0x5];
	[sflag:s9] =	ssyncadd.s32 $0xFFFFFFB0  }
0xb6: {  	[tilespmem:s31], [sflag:$0x6] =	stream.indirect.gather [hbm4b:s1+s26], $0x80, s0, s26, $0xb8;
	[tilespmem:$0x19400] =	vst v63  }
0xb7: {  	s15 =	simm.s32 @!p1 $0x0;
	s17 =	rddreg [dreg:$0x4];
	s16 =	sadd.s32 @!p1 s14, s16  }
0xb8: {  	[tilespmem:s13], [sflag:$0x2] =	stream.linear.gather @!p1 [hbm4b:s16+s15], $0x50, $0x38;
	[tilespmem:$0x19400] =	vst v63  }
0xb9: {  	s13 =	sadd.s32 @!p1 s14, s17;
	s16 =	simm.s32 @!p1 $0x280  }
0xba: {  	[tilespmem:s16], [sflag:$0x2] =	stream.linear.gather @!p1 [hbm4b:s13+s15], $0x50, $0x38;
	[tilespmem:$0x19400] =	vst v63  }
0xbb: {  	_ = 	snop  }
0xbc: {  	[spmem:s2] =	stream.indirect.scatter.add.f32 [tilespmem:s28], [sflag:$0x7], $0x80, s23, s26, $0xb8;
	[tilespmem:$0x19400] =	vst v63  }
0xbd: {  	_ =	swait.ge [sflag:s24], $0x2800  }
0xbe: {  	[sflag:s24] =	ssyncset.done $0x0  }
0xbf: {  	[sflag:s24] =	ssyncadd.s32 $0xFFFFD800  }
0xc0: {  	_ =	swait.ge [sflag:s7], $0x2800  }
0xc1: {  	[sflag:s7] =	ssyncset.done $0x0  }
0xc2: {  	[sflag:s7] =	ssyncadd.s32 $0xFFFFD800  }
0xc3: {  	_ =	swait.ge [sflag:s25], $0x50  }
0xc4: {  	[sflag:s25] =	ssyncset.done $0x0  }
0xc5: {  	[sflag:s25] =	ssyncadd.s32 $0xFFFFFFB0  }
0xc6: {  	_ =	swait.ge [sflag:s25], $0x50  }
0xc7: {  	[sflag:s25] =	ssyncset.done $0x0  }
0xc8: {  	s12 =	sadd.s32 $0x28, s12;
	s13 =	rddreg [dreg:$0x7];
	[sflag:s25] =	ssyncadd.s32 $0xFFFFFFB0  }
0xc9: {  	[tilespmem:s28], [sflag:$0x5] =	stream.indirect.gather [hbm4b:s1+s26], $0x80, s4, s26, $0xb8;
	[tilespmem:$0x19400] =	vst v63  }
0xca: {  	s17 =	simm.s32 @!p1 $0x100;
	s16 =	rddreg [dreg:$0x6];
	s13 =	sadd.s32 @!p1 s14, s13  }
0xcb: {  	[tilespmem:s17], [sflag:$0x3] =	stream.linear.gather @!p1 [hbm4b:s13+s15], $0x50, $0x38;
	[tilespmem:$0x19400] =	vst v63  }
0xcc: {  	p0 =	sne.s32 s12, $0x4D8;
	s13 =	sadd.s32 @!p1 s14, s16;
	s14 =	simm.s32 @!p1 $0x300  }
0xcd: {  	[tilespmem:s14], [sflag:$0x3] =	stream.linear.gather @!p1 [hbm4b:s13+s15], $0x50, $0x38;
	[tilespmem:$0x19400] =	vst v63  }
.Ltmp0:
0xce: {  	_ = 	snop;
	(pc) =	sbr.rel @p0 .LBB2_2-.Ltmp0, $4  }
0xcf: {  	_ = 	snop  }
0xd0: {  	[spmem:s2] =	stream.indirect.scatter.add.f32 [tilespmem:s31], [sflag:$0x7], $0x80, s3, s26, $0xb8;
	[tilespmem:$0x19400] =	vst v63  }
0xd1: {  	_ =	swait.ge [sflag:s24], $0x2800  }
0xd2: {  	[sflag:s24] =	ssyncset.done $0x0  }
0xd3: {  	[sflag:s24] =	ssyncadd.s32 $0xFFFFD800  }
0xd4: {  	_ =	swait.ge [sflag:s29], $0x2800  }
0xd5: {  	[sflag:s29] =	ssyncset.done $0x0  }
0xd6: {  	[sflag:s29] =	ssyncadd.s32 $0xFFFFD800  }
0xd7: {  	[spmem:s2] =	stream.indirect.scatter.add.f32 [tilespmem:s28], [sflag:$0x7], $0x80, s19, s26, $0xb8;
	[tilespmem:$0x19400] =	vst v63  }
0xd8: {  	_ =	swait.ge [sflag:s24], $0x2800  }
0xd9: {  	[sflag:s24] =	ssyncset.done $0x0  }
0xda: {  	[sflag:s24] =	ssyncadd.s32 $0xFFFFD800  }
0xdb: {  	[bflag:$0x0] =	sbarrier.arrive $0xFFFF  }
0xdc: {  	s13 =	rddreg [dreg:$0x12]  }
0xdd: {  	s12 =	rddreg [dreg:$0x13]  }
0xde: {  	[hbm:s12], [sflag:s13] =	dma.local [spmem:s11], $0x2800  }
0xdf: {  	_ =	swait.ge [sflag:s24], $0x2800  }
0xe0: {  	s10 =	sadd.s32 $0x1, s10;
	s18 =	rddreg [dreg:$0x14]  }
0xe1: {  	p0 =	sne.s32 s10, s18  }
.Ltmp1:
0xe2: {  	_ = 	snop;
	(pc) =	sbr.rel @p0 .LBB2_1-.Ltmp1, $3  }
0xe3: {  	_ =	sdelay $0x1  }
0xe4: {  	[sflag:s24] =	ssyncset.done $0x0  }
0xe5: {  	[sflag:s24] =	ssyncadd.s32 $0xFFFFD800  }
0xe6: {  	_ =	sfence.sel $0x180000  }
0xe7: {  	[bflag:$0x0] =	sbarrier.arrive $0xFFFF  }
0xe8: {  	_ =	strace $0x9000004A  }
0xe9: {  	s0 =	stileid.u32;
	[bflag:$0x2] =	sbarrier.arrive $0xFFFF  }
0xea: {  	p0 =	sne.s32 s0, $0x0;
	s0 =	rddreg [dreg:$0x3]  }
0xeb: {  	s0 =	sadd.s32 @!p0 $0x100000, s0  }
0xec: {  	[sflag:s0] =	ssyncadd.tile.s32 @!p0 $0x1;
	_ =	shalt  }
.Lfunc_end2:
_tile_overlayer_lowered:
.L_overlay_start_2:
0xed: {  	(tag) =	ssettag $0x2  }
0xee: {  	s0 =	rddreg [dreg:$0x0];
	s2 =	stileid.u32  }
0xef: {  	s1 =	rddreg [dreg:$0x1];
	p0 =	sne.s32 s2, $0x0  }
0xf0: {  	s3 =	rddreg [dreg:$0x2];
	[bflag:$0x3] =	sbarrier.arrive $0xFFFF;
	s2 =	simm.s32 @!p0 $0x1C07  }
0xf1: {  	[timem:s3], [sflag:s2] =	dma.local @!p0 [hbm:s0], s1  }
0xf2: {  	s0 =	simm.s32 @!p0 $0x7  }
0xf3: {  	_ =	swait.ge @!p0 [sflag:s0], s1  }
0xf4: {  	s1 =	ssub.s32 @!p0 $0x0, s1;
	[sflag:s0] =	ssyncset.done @!p0 $0x0  }
0xf5: {  	[sflag:s0] =	ssyncadd.s32 @!p0 s1  }
0xf6: {  	[bflag:$0x3] =	sbarrier.arrive $0xFFFF  }
0xf7: {  	_ =	shalt  }

// kernel: kernel.14.cloned.1.call-start
scs
__scs_entry_jumppad:
0x0: {  	(pc) =	sbr.rel $0x88, $3  }
0x1: {  	(tag) =	ssettag $0x0;
	lr =	simm.s32 $0x1  }
0x2: {  	[smem:$0x3F9B] =	sst lr;
	_ =	strace $0xD0000000  }
0x3: {  	_ = 	snop  }
0x4: {  	_ = 	snop  }
0x5: {  	_ = 	snop  }
0x6: {  	_ = 	snop  }
0x7: {  	_ = 	snop  }
__scs_overlays_trampoline_lowered:
0x8: {  	[smem:$0x3FAA] =	sst s0  }
0x9: {  	[smem:$0x3FAB] =	sst s1  }
0xa: {  	[smem:$0x3FAC] =	sst s2  }
0xb: {  	[smem:$0x3FAD] =	sst s3  }
0xc: {  	[smem:$0x3FAE] =	sst s4  }
0xd: {  	[smem:$0x3FAF] =	sst s5  }
0xe: {  	[smem:$0x3FB0] =	sst s6  }
0xf: {  	[smem:$0x3FB1] =	sst s7  }
0x10: {  	[smem:$0x3FB2] =	sst s8  }
0x11: {  	[smem:$0x3FB3] =	sst s9;
	s0 =	simm.s32 @!p0 $0x0  }
0x12: {  	s1 =	sld [smem:$0x3F99];
	s0 =	simm.s32 @p0 $0x1  }
0x13: {  	[smem:$0x3FB4] =	sst s0;
	s0 =	simm.s32 @!p1 $0x0  }
0x14: {  	s2 =	sld [smem:$0x3F98];
	s0 =	simm.s32 @p1 $0x1  }
0x15: {  	[smem:$0x3FB5] =	sst s0;
	s0 =	simm.s32 @!p2 $0x0  }
0x16: {  	s3 =	sld [smem:$0x3FDB];
	s0 =	simm.s32 @p2 $0x1  }
0x17: {  	s4 =	simm.s32 $0x1BF5;
	[smem:$0x3FB7] =	sst s0  }
0x18: {  	s0 =	sld [smem:$0x3F9A];
	_ =	swait.ge [sflag:s4], $0x0  }
0x19: {  	s7 =	sld [smem:$0x3F9B]  }
0x1a: {  	s8 =	sadd.s32 $0xFFFFE003, lr  }
0x1b: {  	s9 =	sadd.s32 $0xFFFFFEF7, lr;
	s5 =	simm.s32 $0xFFFFFFFF;
	p2 =	slt.u32 s8, $0xFFFFF086  }
0x1c: {  	p1 =	slt.u32 s9, $0xF7A;
	s5 =	simm.s32 @!p2 $0x0  }
0x1d: {  	s5 =	simm.s32 @p1 $0x1;
	p0 =	seq.s32 s7, s2  }
0x1e: {  	s7 =	smul.u32 @!p0 $0xF7A, s2;
	p2 =	seq.s32 @!p0 s5, $0x0  }
0x1f: {  	s9 =	smul.u32 $0xF7A, s1;
	s8 =	simm.s32 @!p0 $0x1BF5;
	p2 =	por !p2, p0  }
0x20: {  	[sflag:s8] =	ssyncset.s32 @!p0 $0xFFFFF086;
	s6 =	sadd.s32 @!p0 s3, s7;
	s7 =	simm.s32 @!p0 $0x108  }
0x21: {  	s3 =	sadd.s32 s3, s9;
	s6 =	sadd.s32 @!p0 $0x88, s6;
	s7 =	simm.s32 @p2 $0x1082  }
0x22: {  	[simem:s7], [sflag:s8] =	dma.local @!p0 [hbm:s6], $0xF7A  }
0x23: {  	s9 =	sor.u32 $0xD0000000, s2;
	s6 =	simm.s32 $0x108;
	_ =	swait.ge @!p0 [sflag:s8], $0x0  }
0x24: {  	s3 =	sadd.s32 $0x88, s3;
	s6 =	simm.s32 @!p1 $0x1082;
	[sflag:s4] =	ssyncset.s32 $0xFFFFF086  }
0x25: {  	[simem:s6], [sflag:s4] =	dma.local [hbm:s3], $0xF7A  }
0x26: {  	[smem:$0x3F9B] =	sst s1;
	(tag) =	ssettag s2;
	_ =	strace s9  }
0x27: {  	s1 =	sld [smem:$0x3FAB]  }
0x28: {  	s2 =	sld [smem:$0x3FAC]  }
0x29: {  	s4 =	sld [smem:$0x3FAE]  }
0x2a: {  	p0 =	seq.s32 s5, $0x0;
	s5 =	sld [smem:$0x3FAF]  }
0x2b: {  	s6 =	sld [smem:$0x3FB0]  }
0x2c: {  	s7 =	sld [smem:$0x3FB1]  }
0x2d: {  	s3 =	simm.s32 $0x108;
	s8 =	sld [smem:$0x3FB2]  }
0x2e: {  	s3 =	simm.s32 @!p0 $0x1082;
	s9 =	sld [smem:$0x3FB3]  }
0x2f: {  	lr =	sadd.s32 s0, s3;
	s0 =	sld [smem:$0x3FAA]  }
0x30: {  	s3 =	sld [smem:$0x3FAD]  }
0x31: {  	[smem:$0x3FB6] =	sst s10  }
0x32: {  	s10 =	sld [smem:$0x3FB4];
	_ =	sdelay $0x3  }
0x33: {  	p0 =	seq.s32 s10, $0x1;
	s10 =	sld [smem:$0x3FB6];
	_ =	sdelay $0x3  }
0x34: {  	[smem:$0x3FB6] =	sst s10  }
0x35: {  	s10 =	sld [smem:$0x3FB5];
	_ =	sdelay $0x3  }
0x36: {  	p1 =	seq.s32 s10, $0x1;
	s10 =	sld [smem:$0x3FB6];
	_ =	sdelay $0x3  }
0x37: {  	[smem:$0x3FB6] =	sst s10  }
0x38: {  	s10 =	sld [smem:$0x3FB7]  }
0x39: {  	_ = 	snop;
	(pc) =	sbr.ind lr, $3  }
0x3a: {  	_ = 	snop  }
0x3b: {  	_ = 	snop  }
0x3c: {  	p2 =	seq.s32 s10, $0x1;
	s10 =	sld [smem:$0x3FB6]  }
0x3d: {  	_ =	shalt  }
0x3e: {  	_ =	shalt  }
0x3f: {  	_ =	shalt  }
0x40: {  	_ =	shalt  }
0x41: {  	_ =	shalt  }
0x42: {  	_ =	shalt  }
0x43: {  	_ =	shalt  }
0x44: {  	_ =	shalt  }
0x45: {  	_ =	shalt  }
0x46: {  	_ =	shalt  }
0x47: {  	_ =	shalt  }
0x48: {  	_ =	shalt  }
0x49: {  	_ =	shalt  }
0x4a: {  	_ =	shalt  }
0x4b: {  	_ =	shalt  }
0x4c: {  	_ =	shalt  }
0x4d: {  	_ =	shalt  }
0x4e: {  	_ =	shalt  }
0x4f: {  	_ =	shalt  }
0x50: {  	_ =	shalt  }
0x51: {  	_ =	shalt  }
0x52: {  	_ =	shalt  }
0x53: {  	_ =	shalt  }
0x54: {  	_ =	shalt  }
0x55: {  	_ =	shalt  }
0x56: {  	_ =	shalt  }
0x57: {  	_ =	shalt  }
0x58: {  	_ =	shalt  }
0x59: {  	_ =	shalt  }
0x5a: {  	_ =	shalt  }
0x5b: {  	_ =	shalt  }
0x5c: {  	_ =	shalt  }
0x5d: {  	_ =	shalt  }
0x5e: {  	_ =	shalt  }
0x5f: {  	_ =	shalt  }
0x60: {  	_ =	shalt  }
0x61: {  	_ =	shalt  }
0x62: {  	_ =	shalt  }
0x63: {  	_ =	shalt  }
0x64: {  	_ =	shalt  }
0x65: {  	_ =	shalt  }
0x66: {  	_ =	shalt  }
0x67: {  	_ =	shalt  }
0x68: {  	_ =	shalt  }
0x69: {  	_ =	shalt  }
0x6a: {  	_ =	shalt  }
0x6b: {  	_ =	shalt  }
0x6c: {  	_ =	shalt  }
0x6d: {  	_ =	shalt  }
0x6e: {  	_ =	shalt  }
0x6f: {  	_ =	shalt  }
0x70: {  	_ =	shalt  }
0x71: {  	_ =	shalt  }
0x72: {  	_ =	shalt  }
0x73: {  	_ =	shalt  }
0x74: {  	_ =	shalt  }
0x75: {  	_ =	shalt  }
0x76: {  	_ =	shalt  }
0x77: {  	_ =	shalt  }
0x78: {  	_ =	shalt  }
0x79: {  	_ =	shalt  }
0x7a: {  	_ =	shalt  }
0x7b: {  	_ =	shalt  }
0x7c: {  	_ =	shalt  }
0x7d: {  	_ =	shalt  }
0x7e: {  	_ =	shalt  }
0x7f: {  	_ =	shalt  }
0x80: {  	_ =	shalt  }
0x81: {  	_ =	shalt  }
0x82: {  	_ =	shalt  }
0x83: {  	_ =	shalt  }
0x84: {  	_ =	shalt  }
0x85: {  	_ =	shalt  }
0x86: {  	_ =	shalt  }
0x87: {  	_ =	shalt  }
.Lfunc_end0:
.L_simem_size_0:
called_computation.2_lowered:
.L_overlay_start_0:
0x88: {  	s2 =	sld [smem:$0x3FD9]  }
0x89: {  	s3 =	sld [smem:$0x3FFE];
	_ =	sdelay $0x1  }
0x8a: {  	s1 =	srdreg.scid  }
0x8b: {  	s0 =	sand.u32 $0x1, s1  }
0x8c: {  	s17 =	sshll.u32 s0, $0xA;
	s2 =	sadd.s32 s3, s2  }
0x8d: {  	s2 =	sadd.s32 s2, s17  }
0x8e: {  	[smem:$0x3FC2] =	sst s2  }
0x8f: {  	_ = 	snop  }
0x90: {  	s2 =	sld [smem:$0x3FD0];
	(tm) =	ssettm $0x1  }
0x91: {  	s18 =	sld [smem:$0x3FFB];
	_ =	sdelay $0x3  }
0x92: {  	_ =	strace s18  }
0x93: {  	s3 =	sld [smem:$0x3FFC];
	_ =	sdelay $0x3  }
0x94: {  	_ =	strace s3  }
0x95: {  	s3 =	sld [smem:$0x3FFD];
	_ =	sdelay $0x3  }
0x96: {  	_ =	strace s3  }
0x97: {  	_ =	strace $0x8FFFFFFF  }
0x98: {  	s19 =	sld [smem:$0x3FDB];
	_ =	sdelay $0x1  }
0x99: {  	s4 =	simm.s32 $_scs_section_size  }
0x9a: {  	s5 =	simm.s32 $_size__tile_overlayer_lowered;
	s6 =	simm.s32 $_tile_overlayer_lowered  }
0x9b: {  	s22 =	simm.s32 $0x1BFF;
	s21 =	sshll.u32 s6, $0x1;
	s3 =	sadd.s32 s4, s19  }
0x9c: {  	s7 =	simm.s32 $0x0;
	s20 =	sshll.u32 s5, $0x1;
	s5 =	sadd.s32 s21, s3  }
0x9d: {  	[timem:s7], [sflag:s22] =	dma.local [hbm:s5], s20  }
0x9e: {  	_ =	swait.ge [sflag:s22], s20  }
0x9f: {  	s4 =	ssub.s32 $0x0, s20;
	[sflag:s22] =	ssyncset.done $0x0  }
0xa0: {  	[sflag:s22] =	ssyncadd.s32 s4;
	_ =	sdelay $0x1  }
0xa1: {  	s23 =	simm.s32 $0x1B8B  }
0xa2: {  	_ =	swait.ge [sflag:s23], $0x1  }
0xa3: {  	[sflag:s23] =	ssyncset.done $0x0  }
0xa4: {  	s25 =	simm.s32 $0x1B8E;
	s24 =	sld [smem:$0x3FFE];
	[sflag:s23] =	ssyncadd.s32 $0xFFFFFFFF  }
0xa5: {  	s26 =	simm.s32 $execute0_lowered;
	[smem:$0x3FD2] =	sst s25  }
0xa6: {  	s5 =	sshll.u32 s26, $0x1;
	_ =	strace $0x8000004C;
	[dreg:$0x1] =	wrdreg $0xFFFFFFFF  }
0xa7: {  	s28 =	simm.s32 $_size_execute0_lowered;
	s3 =	sadd.s32 s3, s5;
	[dreg:$0x0] =	wrdreg $0x0  }
0xa8: {  	s5 =	sshll.u32 s28, $0x1;
	[dreg:$0x2] =	wrdreg s3  }
0xa9: {  	[dreg:$0x3] =	wrdreg s5  }
0xaa: {  	[dreg:$0x4] =	wrdreg $0xC0  }
0xab: {  	_ =	task [dreg:s7], $0x5FFFF  }
0xac: {  	[dreg:$0x1] =	wrdreg $0xFFFFFFFF  }
0xad: {  	[dreg:$0x0] =	wrdreg $0x60  }
0xae: {  	[dreg:$0x2] =	wrdreg s24  }
0xaf: {  	[dreg:$0x3] =	wrdreg s2  }
0xb0: {  	[dreg:$0x4] =	wrdreg $0x54000  }
0xb1: {  	[dreg:$0x5] =	wrdreg $0x9  }
0xb2: {  	_ =	task.clear_ibuf [dreg:s7], $0x6FFFF;
	_ =	strace $0x9000004C  }
0xb3: {  	s29 =	simm.s32 $0x9;
	_ =	strace $0x8000004E  }
0xb4: {  	_ =	swait.ge [sflag:s29], $0x1  }
0xb5: {  	[sflag:s29] =	ssyncadd.s32 $0xFFFFFFFF  }
0xb6: {  	_ =	strace $0x9000004E  }
0xb7: {  	_ =	sfence  }
0xb8: {  	s30 =	sld [smem:$0x0];
	_ =	sdelay $0x2  }
0xb9: {  	s31 =	sshll.u32 s1, $0xD;
	s1 =	sshrl.u32 s1, $0x2  }
0xba: {  	s3 =	sand.u32 $0x4000, s31;
	s1 =	sadd.s32 s1, s30  }
0xbb: {  	s0 =	sor.u32 s3, s0;
	s1 =	sshll.u32 s1, $0x11  }
0xbc: {  	s0 =	sor.u32 s1, s0  }
0xbd: {  	s0 =	sadd.s32 $0x8F2B, s0  }
0xbe: {  	[sflag:s0] =	ssyncadd.remote.s32 $0x1  }
0xbf: {  	_ =	sfence.sel $0xFFFF  }
0xc0: {  	[dreg:$0x0] =	wrdreg $0xFFFFFFFF;
	(pc) =	sbr.abs _section_cstart, $3  }
0xc1: {  	[dreg:$0x1] =	wrdreg $0xFFFFFFFF  }
0xc2: {  	_ =	task.clear_ibuf [dreg:s7], $0x2FFFF;
	_ =	strace $0x9FFFFFFF  }
0xc3: {  	(tm) =	ssettm $0x7FFFFFFF  }
tec
execute0_lowered:
.L_overlay_start_1:
0x0: {  	(tag) =	ssettag $0x1  }
0x1: {  	s0 =	rddreg [dreg:$0x0]  }
0x2: {  	s1 =	rddreg [dreg:$0x1]  }
0x3: {  	s2 =	rddreg [dreg:$0x2];
	s3 =	srdreg.scid  }
0x4: {  	s4 =	simm.s32 $0x0;
	s12 =	stileid.u32;
	s28 =	simm.s32 $0x400  }
0x5: {  	s29 =	simm.s32 $0x5;
	s30 =	simm.s32 $0x2;
	s31 =	simm.s32 $0x2C00  }
0x6: {  	s3 =	sand.u32 $0x1, s3;
	[smem:$0x7FF] =	sst s4;
	s8 =	smul.u32 $0x14000, s12  }
0x7: {  	s5 =	sadd.s32 $0x2400, s0;
	s9 =	sshll.u32 s12, $0x1;
	s22 =	smul.u32 $0x4E20, s12  }
0x8: {  	s6 =	sadd.s32 $0xC200, s0;
	s10 =	sadd.s32 $0x16000, s0;
	s26 =	smul.u32 $0x50000, s12  }
0x9: {  	s18 =	sshll.u32 s12, $0x6;
	s7 =	smul.u32 $0x140000, s3;
	_ =	strace $0x8000004D  }
0xa: {  	s19 =	sor.u32 s3, s9;
	s20 =	ssub.s32 $0x2, s3;
	[dreg:$0xa] =	wrdreg s10  }
0xb: {  	s3 =	smul.u32 $0x2710, s3;
	s9 =	simm.s32 $0x4;
	s21 =	sshrl.u32 s20, $0x1  }
0xc: {  	s14 =	sshrl.u32 s26, $0x2;
	s7 =	sadd.s32 s8, s7;
	s8 =	smul.u32 $0x2710, s19  }
0xd: {  	s3 =	sadd.s32 s3, s22;
	s16 =	sadd.s32 s14, s2;
	s7 =	sshrl.u32 s7, $0x3  }
0xe: {  	s15 =	sadd.s32 $0x190, s3;
	[dreg:$0x11] =	wrdreg s16;
	s19 =	sadd.s32 $0x1E0, s3  }
0xf: {  	s22 =	sadd.s32 $0xF0, s3;
	s3 =	sadd.s32 $0x140, s3;
	s0 =	sadd.s32 s7, s0  }
0x10: {  	s7 =	ssub.s32 s20, s21;
	s8 =	sshrl.u32 s8, $0x3;
	s17 =	sshrl.u32 s15, $0x3  }
0x11: {  	s20 =	sshrl.u32 s19, $0x3;
	[dreg:$0x15] =	wrdreg s3;
	s23 =	sadd.s32 s5, s8  }
0x12: {  	s19 =	simm.s32 $0x200;
	s11 =	sadd.s32 s6, s8;
	[dreg:$0xb] =	wrdreg s23  }
0x13: {  	s3 =	simm.s32 $0x380;
	s21 =	sadd.s32 s20, s6;
	[dreg:$0xc] =	wrdreg s11  }
0x14: {  	s24 =	sadd.s32 $0xA, s8;
	s0 =	sadd.s32 $0x18800, s0;
	[dreg:$0x6] =	wrdreg s21  }
0x15: {  	s8 =	sadd.s32 $0x14, s8;
	s7 =	smax.u32 s7, $0x1;
	[dreg:$0x13] =	wrdreg s0  }
0x16: {  	s25 =	sadd.s32 s5, s24;
	s10 =	sadd.s32 s6, s24;
	[dreg:$0x14] =	wrdreg s7  }
0x17: {  	s13 =	sadd.s32 s5, s8;
	s8 =	sadd.s32 s6, s8;
	[dreg:$0xd] =	wrdreg s25  }
0x18: {  	s23 =	sadd.s32 s20, s5;
	s24 =	sshrl.u32 s22, $0x3;
	[dreg:$0xe] =	wrdreg s10  }
0x19: {  	s20 =	simm.s32 $0x80;
	s21 =	simm.s32 $0x280;
	[dreg:$0xf] =	wrdreg s13  }
0x1a: {  	s22 =	simm.s32 $0x100;
	s0 =	simm.s32 $0x180;
	[dreg:$0x10] =	wrdreg s8  }
0x1b: {  	s7 =	simm.s32 $0x6;
	s10 =	sadd.s32 s17, s6;
	[dreg:$0x7] =	wrdreg s23  }
0x1c: {  	s8 =	sadd.s32 s17, s5;
	s13 =	sor.u32 $0x1C07, s18;
	[dreg:$0x4] =	wrdreg s10  }
0x1d: {  	s25 =	sadd.s32 s24, s6;
	s26 =	sadd.s32 s24, s5;
	[dreg:$0x5] =	wrdreg s8  }
0x1e: {  	s23 =	simm.s32 $0x300;
	s24 =	simm.s32 $0x7;
	[dreg:$0x8] =	wrdreg s25  }
0x1f: {  	[dreg:$0x9] =	wrdreg s26;
	s25 =	simm.s32 $0x1;
	s26 =	simm.s32 $0x50  }
0x20: {  	s8 =	simm.s32 $0x3;
	s10 =	simm.s32 $0x0;
	[dreg:$0x12] =	wrdreg s13  }
.LBB2_1:
0x21: {  	s11 =	rddreg [dreg:$0xb]  }
0x22: {  	s14 =	rddreg [dreg:$0xc]  }
0x23: {  	s15 =	rddreg [dreg:$0xd]  }
0x24: {  	[tilespmem:s4], [sflag:$0x1] =	stream.linear.gather [hbm4b:s11+s4], $0x50, $0x38;
	[tilespmem:$0x19400] =	vst v63  }
0x25: {  	s16 =	rddreg [dreg:$0xe]  }
0x26: {  	[tilespmem:s19], [sflag:$0x1] =	stream.linear.gather [hbm4b:s14+s4], $0x50, $0x38;
	[tilespmem:$0x19400] =	vst v63  }
0x27: {  	s17 =	rddreg [dreg:$0xf]  }
0x28: {  	[tilespmem:s20], [sflag:$0x2] =	stream.linear.gather [hbm4b:s15+s4], $0x50, $0x38;
	[tilespmem:$0x19400] =	vst v63  }
0x29: {  	s18 =	rddreg [dreg:$0x10]  }
0x2a: {  	[tilespmem:s21], [sflag:$0x2] =	stream.linear.gather [hbm4b:s16+s4], $0x50, $0x38;
	[tilespmem:$0x19400] =	vst v63  }
0x2b: {  	s12 =	rddreg [dreg:$0x11]  }
0x2c: {  	[tilespmem:s22], [sflag:$0x3] =	stream.linear.gather [hbm4b:s17+s4], $0x50, $0x38;
	[tilespmem:$0x19400] =	vst v63  }
0x2d: {  	s11 =	sshrl.u32 s12, $0x3;
	s12 =	rddreg [dreg:$0xa]  }
0x2e: {  	[tilespmem:s23], [sflag:$0x3] =	stream.linear.gather [hbm4b:s18+s4], $0x50, $0x38;
	[tilespmem:$0x19400] =	vst v63  }
0x2f: {  	[spmem:s11], [sflag:s13] =	dma.local [hbm:s12], $0x2800  }
0x30: {  	_ =	swait.ge [sflag:s24], $0x2800  }
0x31: {  	[sflag:s24] =	ssyncset.done $0x0  }
0x32: {  	[sflag:s24] =	ssyncadd.s32 $0xFFFFD800  }
0x33: {  	[bflag:$0x0] =	sbarrier.arrive $0xFFFF  }
0x34: {  	_ =	swait.ge [sflag:s25], $0x50  }
0x35: {  	[sflag:s25] =	ssyncset.done $0x0  }
0x36: {  	[sflag:s25] =	ssyncadd.s32 $0xFFFFFFB0  }
0x37: {  	_ =	swait.ge [sflag:s25], $0x50  }
0x38: {  	[sflag:s25] =	ssyncset.done $0x0  }
0x39: {  	[sflag:s25] =	ssyncadd.s32 $0xFFFFFFB0  }
0x3a: {  	[tilespmem:s28], [sflag:$0x5] =	stream.indirect.gather [hbm4b:s1+s26], $0x80, s4, s26, $0xb8;
	[tilespmem:$0x19400] =	vst v63  }
0x3b: {  	_ =	swait.ge [sflag:s29], $0x2800  }
0x3c: {  	[sflag:s29] =	ssyncset.done $0x0  }
0x3d: {  	[sflag:s29] =	ssyncadd.s32 $0xFFFFD800  }
0x3e: {  	_ =	swait.ge [sflag:s30], $0x50  }
0x3f: {  	[sflag:s30] =	ssyncset.done $0x0  }
0x40: {  	[sflag:s30] =	ssyncadd.s32 $0xFFFFFFB0  }
0x41: {  	_ =	swait.ge [sflag:s30], $0x50  }
0x42: {  	[sflag:s30] =	ssyncset.done $0x0  }
0x43: {  	s13 =	rddreg [dreg:$0x9];
	[sflag:s30] =	ssyncadd.s32 $0xFFFFFFB0  }
0x44: {  	[tilespmem:s31], [sflag:$0x6] =	stream.indirect.gather [hbm4b:s1+s26], $0x80, s20, s26, $0xb8;
	[tilespmem:$0x19400] =	vst v63  }
0x45: {  	s14 =	rddreg [dreg:$0x8];
	s12 =	sadd.s32 $0x0, s13  }
0x46: {  	[tilespmem:s0], [sflag:$0x4] =	stream.linear.gather [hbm4b:s12+s4], $0x50, $0x38;
	[tilespmem:$0x19400] =	vst v63  }
0x47: {  	s14 =	sadd.s32 $0x0, s14  }
0x48: {  	[tilespmem:s3], [sflag:$0x4] =	stream.linear.gather [hbm4b:s14+s4], $0x50, $0x38;
	[tilespmem:$0x19400] =	vst v63  }
0x49: {  	_ = 	snop  }
0x4a: {  	[spmem:s2] =	stream.indirect.scatter.add.f32 [tilespmem:s28], [sflag:$0x7], $0x80, s19, s26, $0xb8;
	[tilespmem:$0x19400] =	vst v63  }
0x4b: {  	_ =	swait.ge [sflag:s24], $0x2800  }
0x4c: {  	[sflag:s24] =	ssyncset.done $0x0  }
0x4d: {  	[sflag:s24] =	ssyncadd.s32 $0xFFFFD800  }
0x4e: {  	_ =	swait.ge [sflag:s7], $0x2800  }
0x4f: {  	[sflag:s7] =	ssyncset.done $0x0  }
0x50: {  	[sflag:s7] =	ssyncadd.s32 $0xFFFFD800  }
0x51: {  	_ =	swait.ge [sflag:s8], $0x50  }
0x52: {  	[sflag:s8] =	ssyncset.done $0x0  }
0x53: {  	[sflag:s8] =	ssyncadd.s32 $0xFFFFFFB0  }
0x54: {  	_ =	swait.ge [sflag:s8], $0x50  }
0x55: {  	[sflag:s8] =	ssyncset.done $0x0;
	s15 =	rddreg [dreg:$0x15]  }
0x56: {  	[sflag:s8] =	ssyncadd.s32 $0xFFFFFFB0;
	s17 =	sshrl.u32 s15, $0x3  }
0x57: {  	[tilespmem:s28], [sflag:$0x5] =	stream.indirect.gather [hbm4b:s1+s26], $0x80, s22, s26, $0xb8;
	[tilespmem:$0x19400] =	vst v63  }
0x58: {  	s18 =	sadd.s32 s5, s17  }
0x59: {  	[tilespmem:s4], [sflag:$0x1] =	stream.linear.gather [hbm4b:s18+s4], $0x50, $0x38;
	[tilespmem:$0x19400] =	vst v63  }
0x5a: {  	s12 =	sadd.s32 s6, s17  }
0x5b: {  	[tilespmem:s19], [sflag:$0x1] =	stream.linear.gather [hbm4b:s12+s4], $0x50, $0x38;
	[tilespmem:$0x19400] =	vst v63  }
0x5c: {  	_ = 	snop  }
0x5d: {  	[spmem:s2] =	stream.indirect.scatter.add.f32 [tilespmem:s31], [sflag:$0x7], $0x80, s21, s26, $0xb8;
	[tilespmem:$0x19400] =	vst v63  }
0x5e: {  	_ =	swait.ge [sflag:s24], $0x2800  }
0x5f: {  	[sflag:s24] =	ssyncset.done $0x0  }
0x60: {  	[sflag:s24] =	ssyncadd.s32 $0xFFFFD800  }
0x61: {  	_ =	swait.ge [sflag:s29], $0x2800  }
0x62: {  	[sflag:s29] =	ssyncset.done $0x0  }
0x63: {  	[sflag:s29] =	ssyncadd.s32 $0xFFFFD800  }
0x64: {  	_ =	swait.ge [sflag:s9], $0x50  }
0x65: {  	[sflag:s9] =	ssyncset.done $0x0  }
0x66: {  	[sflag:s9] =	ssyncadd.s32 $0xFFFFFFB0  }
0x67: {  	_ =	swait.ge [sflag:s9], $0x50  }
0x68: {  	p0 =	por $0x0, $0x0;
	[sflag:s9] =	ssyncset.done $0x0  }
0x69: {  	s16 =	simm.s32 @!p0 $0x80;
	s12 =	rddreg [dreg:$0x5];
	[sflag:s9] =	ssyncadd.s32 $0xFFFFFFB0  }
0x6a: {  	[tilespmem:s31], [sflag:$0x6] =	stream.indirect.gather [hbm4b:s1+s26], $0x80, s0, s26, $0xb8;
	[tilespmem:$0x19400] =	vst v63  }
0x6b: {  	s18 =	simm.s32 @!p0 $0x0;
	s14 =	rddreg [dreg:$0x4];
	s12 =	sadd.s32 @!p0 $0x0, s12  }
0x6c: {  	[tilespmem:s16], [sflag:$0x2] =	stream.linear.gather @!p0 [hbm4b:s12+s18], $0x50, $0x38;
	[tilespmem:$0x19400] =	vst v63  }
0x6d: {  	s12 =	sadd.s32 @!p0 $0x0, s14;
	s14 =	simm.s32 @!p0 $0x280  }
0x6e: {  	[tilespmem:s14], [sflag:$0x2] =	stream.linear.gather @!p0 [hbm4b:s12+s18], $0x50, $0x38;
	[tilespmem:$0x19400] =	vst v63  }
0x6f: {  	_ = 	snop  }
0x70: {  	[spmem:s2] =	stream.indirect.scatter.add.f32 [tilespmem:s28], [sflag:$0x7], $0x80, s23, s26, $0xb8;
	[tilespmem:$0x19400] =	vst v63  }
0x71: {  	_ =	swait.ge [sflag:s24], $0x2800  }
0x72: {  	[sflag:s24] =	ssyncset.done $0x0  }
0x73: {  	[sflag:s24] =	ssyncadd.s32 $0xFFFFD800  }
0x74: {  	_ =	swait.ge [sflag:s7], $0x2800  }
0x75: {  	[sflag:s7] =	ssyncset.done $0x0  }
0x76: {  	[sflag:s7] =	ssyncadd.s32 $0xFFFFD800  }
0x77: {  	_ =	swait.ge [sflag:s25], $0x50  }
0x78: {  	[sflag:s25] =	ssyncset.done $0x0  }
0x79: {  	[sflag:s25] =	ssyncadd.s32 $0xFFFFFFB0  }
0x7a: {  	_ =	swait.ge [sflag:s25], $0x50  }
0x7b: {  	[sflag:s25] =	ssyncset.done $0x0  }
0x7c: {  	s12 =	rddreg [dreg:$0x7];
	[sflag:s25] =	ssyncadd.s32 $0xFFFFFFB0  }
0x7d: {  	[tilespmem:s28], [sflag:$0x5] =	stream.indirect.gather [hbm4b:s1+s26], $0x80, s4, s26, $0xb8;
	[tilespmem:$0x19400] =	vst v63  }
0x7e: {  	s16 =	simm.s32 @!p0 $0x100;
	s14 =	rddreg [dreg:$0x6];
	s12 =	sadd.s32 @!p0 $0x0, s12  }
0x7f: {  	[tilespmem:s16], [sflag:$0x3] =	stream.linear.gather @!p0 [hbm4b:s12+s18], $0x50, $0x38;
	[tilespmem:$0x19400] =	vst v63  }
0x80: {  	s12 =	sadd.s32 @!p0 $0x0, s14;
	s14 =	simm.s32 @!p0 $0x300  }
0x81: {  	[tilespmem:s14], [sflag:$0x3] =	stream.linear.gather @!p0 [hbm4b:s12+s18], $0x50, $0x38;
	[tilespmem:$0x19400] =	vst v63  }
0x82: {  	_ = 	snop  }
0x83: {  	[spmem:s2] =	stream.indirect.scatter.add.f32 [tilespmem:s31], [sflag:$0x7], $0x80, s3, s26, $0xb8;
	[tilespmem:$0x19400] =	vst v63  }
0x84: {  	_ =	swait.ge [sflag:s24], $0x2800  }
0x85: {  	s12 =	simm.s32 $0x28;
	s18 =	smov.u32 s15;
	[sflag:s24] =	ssyncset.done $0x0  }
.LBB2_2:
0x86: {  	[sflag:s24] =	ssyncadd.s32 $0xFFFFD800  }
0x87: {  	_ =	swait.ge [sflag:s29], $0x2800  }
0x88: {  	[sflag:s29] =	ssyncset.done $0x0  }
0x89: {  	[sflag:s29] =	ssyncadd.s32 $0xFFFFD800  }
0x8a: {  	_ =	swait.ge [sflag:s30], $0x50  }
0x8b: {  	[sflag:s30] =	ssyncset.done $0x0  }
0x8c: {  	[sflag:s30] =	ssyncadd.s32 $0xFFFFFFB0  }
0x8d: {  	_ =	swait.ge [sflag:s30], $0x50  }
0x8e: {  	[sflag:s30] =	ssyncset.done $0x0  }
0x8f: {  	s14 =	smov.u32 s12;
	s16 =	rddreg [dreg:$0x9];
	[sflag:s30] =	ssyncadd.s32 $0xFFFFFFB0  }
0x90: {  	[tilespmem:s31], [sflag:$0x6] =	stream.indirect.gather [hbm4b:s1+s26], $0x80, s20, s26, $0xb8;
	[tilespmem:$0x19400] =	vst v63  }
0x91: {  	s17 =	rddreg [dreg:$0x8];
	s16 =	sadd.s32 s14, s16  }
0x92: {  	[tilespmem:s0], [sflag:$0x4] =	stream.linear.gather [hbm4b:s16+s4], $0x50, $0x38;
	[tilespmem:$0x19400] =	vst v63  }
0x93: {  	s17 =	sadd.s32 s14, s17  }
0x94: {  	[tilespmem:s3], [sflag:$0x4] =	stream.linear.gather [hbm4b:s17+s4], $0x50, $0x38;
	[tilespmem:$0x19400] =	vst v63  }
0x95: {  	_ = 	snop  }
0x96: {  	[spmem:s2] =	stream.indirect.scatter.add.f32 [tilespmem:s28], [sflag:$0x7], $0x80, s19, s26, $0xb8;
	[tilespmem:$0x19400] =	vst v63  }
0x97: {  	_ =	swait.ge [sflag:s24], $0x2800  }
0x98: {  	[sflag:s24] =	ssyncset.done $0x0  }
0x99: {  	[sflag:s24] =	ssyncadd.s32 $0xFFFFD800  }
0x9a: {  	_ =	swait.ge [sflag:s7], $0x2800  }
0x9b: {  	[sflag:s7] =	ssyncset.done $0x0  }
0x9c: {  	[sflag:s7] =	ssyncadd.s32 $0xFFFFD800  }
0x9d: {  	_ =	swait.ge [sflag:s8], $0x50  }
0x9e: {  	[sflag:s8] =	ssyncset.done $0x0  }
0x9f: {  	[sflag:s8] =	ssyncadd.s32 $0xFFFFFFB0  }
0xa0: {  	_ =	swait.ge [sflag:s8], $0x50  }
0xa1: {  	s18 =	sadd.s32 $0x140, s18;
	[sflag:s8] =	ssyncset.done $0x0  }
0xa2: {  	s13 =	sshrl.u32 s18, $0x3;
	[sflag:s8] =	ssyncadd.s32 $0xFFFFFFB0  }
0xa3: {  	[tilespmem:s28], [sflag:$0x5] =	stream.indirect.gather [hbm4b:s1+s26], $0x80, s22, s26, $0xb8;
	[tilespmem:$0x19400] =	vst v63  }
0xa4: {  	s15 =	sadd.s32 s5, s13  }
0xa5: {  	[tilespmem:s4], [sflag:$0x1] =	stream.linear.gather [hbm4b:s15+s4], $0x50, $0x38;
	[tilespmem:$0x19400] =	vst v63  }
0xa6: {  	s16 =	sadd.s32 s6, s13  }
0xa7: {  	[tilespmem:s19], [sflag:$0x1] =	stream.linear.gather [hbm4b:s16+s4], $0x50, $0x38;
	[tilespmem:$0x19400] =	vst v63  }
0xa8: {  	_ = 	snop  }
0xa9: {  	[spmem:s2] =	stream.indirect.scatter.add.f32 [tilespmem:s31], [sflag:$0x7], $0x80, s21, s26, $0xb8;
	[tilespmem:$0x19400] =	vst v63  }
0xaa: {  	_ =	swait.ge [sflag:s24], $0x2800  }
0xab: {  	[sflag:s24] =	ssyncset.done $0x0  }
0xac: {  	[sflag:s24] =	ssyncadd.s32 $0xFFFFD800  }
0xad: {  	_ =	swait.ge [sflag:s29], $0x2800  }
0xae: {  	[sflag:s29] =	ssyncset.done $0x0  }
0xaf: {  	[sflag:s29] =	ssyncadd.s32 $0xFFFFD800  }
0xb0: {  	_ =	swait.ge [sflag:s9], $0x50  }
0xb1: {  	[sflag:s9] =	ssyncset.done $0x0  }
0xb2: {  	[sflag:s9] =	ssyncadd.s32 $0xFFFFFFB0  }
0xb3: {  	_ =	swait.ge [sflag:s9], $0x50  }
0xb4: {  	p1 =	seq.s32 s14, $0x4B0;
	[sflag:s9] =	ssyncset.done $0x0  }
0xb5: {  	s13 =	simm.s32 @!p1 $0x80;
	s16 =	rddreg [dreg:$0x5];
	[sflag:s9] =	ssyncadd.s32 $0xFFFFFFB0  }
0xb6: {  	[tilespmem:s31], [sflag:$0x6] =	stream.indirect.gather [hbm4b:s1+s26], $0x80, s0, s26, $0xb8;
	[tilespmem:$0x19400] =	vst v63  }
0xb7: {  	s15 =	simm.s32 @!p1 $0x0;
	s17 =	rddreg [dreg:$0x4];
	s16 =	sadd.s32 @!p1 s14, s16  }
0xb8: {  	[tilespmem:s13], [sflag:$0x2] =	stream.linear.gather @!p1 [hbm4b:s16+s15], $0x50, $0x38;
	[tilespmem:$0x19400] =	vst v63  }
0xb9: {  	s13 =	sadd.s32 @!p1 s14, s17;
	s16 =	simm.s32 @!p1 $0x280  }
0xba: {  	[tilespmem:s16], [sflag:$0x2] =	stream.linear.gather @!p1 [hbm4b:s13+s15], $0x50, $0x38;
	[tilespmem:$0x19400] =	vst v63  }
0xbb: {  	_ = 	snop  }
0xbc: {  	[spmem:s2] =	stream.indirect.scatter.add.f32 [tilespmem:s28], [sflag:$0x7], $0x80, s23, s26, $0xb8;
	[tilespmem:$0x19400] =	vst v63  }
0xbd: {  	_ =	swait.ge [sflag:s24], $0x2800  }
0xbe: {  	[sflag:s24] =	ssyncset.done $0x0  }
0xbf: {  	[sflag:s24] =	ssyncadd.s32 $0xFFFFD800  }
0xc0: {  	_ =	swait.ge [sflag:s7], $0x2800  }
0xc1: {  	[sflag:s7] =	ssyncset.done $0x0  }
0xc2: {  	[sflag:s7] =	ssyncadd.s32 $0xFFFFD800  }
0xc3: {  	_ =	swait.ge [sflag:s25], $0x50  }
0xc4: {  	[sflag:s25] =	ssyncset.done $0x0  }
0xc5: {  	[sflag:s25] =	ssyncadd.s32 $0xFFFFFFB0  }
0xc6: {  	_ =	swait.ge [sflag:s25], $0x50  }
0xc7: {  	[sflag:s25] =	ssyncset.done $0x0  }
0xc8: {  	s12 =	sadd.s32 $0x28, s12;
	s13 =	rddreg [dreg:$0x7];
	[sflag:s25] =	ssyncadd.s32 $0xFFFFFFB0  }
0xc9: {  	[tilespmem:s28], [sflag:$0x5] =	stream.indirect.gather [hbm4b:s1+s26], $0x80, s4, s26, $0xb8;
	[tilespmem:$0x19400] =	vst v63  }
0xca: {  	s17 =	simm.s32 @!p1 $0x100;
	s16 =	rddreg [dreg:$0x6];
	s13 =	sadd.s32 @!p1 s14, s13  }
0xcb: {  	[tilespmem:s17], [sflag:$0x3] =	stream.linear.gather @!p1 [hbm4b:s13+s15], $0x50, $0x38;
	[tilespmem:$0x19400] =	vst v63  }
0xcc: {  	p0 =	sne.s32 s12, $0x4D8;
	s13 =	sadd.s32 @!p1 s14, s16;
	s14 =	simm.s32 @!p1 $0x300  }
0xcd: {  	[tilespmem:s14], [sflag:$0x3] =	stream.linear.gather @!p1 [hbm4b:s13+s15], $0x50, $0x38;
	[tilespmem:$0x19400] =	vst v63  }
.Ltmp0:
0xce: {  	_ = 	snop;
	(pc) =	sbr.rel @p0 .LBB2_2-.Ltmp0, $4  }
0xcf: {  	_ = 	snop  }
0xd0: {  	[spmem:s2] =	stream.indirect.scatter.add.f32 [tilespmem:s31], [sflag:$0x7], $0x80, s3, s26, $0xb8;
	[tilespmem:$0x19400] =	vst v63  }
0xd1: {  	_ =	swait.ge [sflag:s24], $0x2800  }
0xd2: {  	[sflag:s24] =	ssyncset.done $0x0  }
0xd3: {  	[sflag:s24] =	ssyncadd.s32 $0xFFFFD800  }
0xd4: {  	_ =	swait.ge [sflag:s29], $0x2800  }
0xd5: {  	[sflag:s29] =	ssyncset.done $0x0  }
0xd6: {  	[sflag:s29] =	ssyncadd.s32 $0xFFFFD800  }
0xd7: {  	[spmem:s2] =	stream.indirect.scatter.add.f32 [tilespmem:s28], [sflag:$0x7], $0x80, s19, s26, $0xb8;
	[tilespmem:$0x19400] =	vst v63  }
0xd8: {  	_ =	swait.ge [sflag:s24], $0x2800  }
0xd9: {  	[sflag:s24] =	ssyncset.done $0x0  }
0xda: {  	[sflag:s24] =	ssyncadd.s32 $0xFFFFD800  }
0xdb: {  	[bflag:$0x0] =	sbarrier.arrive $0xFFFF  }
0xdc: {  	s13 =	rddreg [dreg:$0x12]  }
0xdd: {  	s12 =	rddreg [dreg:$0x13]  }
0xde: {  	[hbm:s12], [sflag:s13] =	dma.local [spmem:s11], $0x2800  }
0xdf: {  	_ =	swait.ge [sflag:s24], $0x2800  }
0xe0: {  	s10 =	sadd.s32 $0x1, s10;
	s18 =	rddreg [dreg:$0x14]  }
0xe1: {  	p0 =	sne.s32 s10, s18  }
.Ltmp1:
0xe2: {  	_ = 	snop;
	(pc) =	sbr.rel @p0 .LBB2_1-.Ltmp1, $3  }
0xe3: {  	_ =	sdelay $0x1  }
0xe4: {  	[sflag:s24] =	ssyncset.done $0x0  }
0xe5: {  	[sflag:s24] =	ssyncadd.s32 $0xFFFFD800  }
0xe6: {  	_ =	sfence.sel $0x180000  }
0xe7: {  	[bflag:$0x0] =	sbarrier.arrive $0xFFFF  }
0xe8: {  	_ =	strace $0x9000004D  }
0xe9: {  	s0 =	stileid.u32;
	[bflag:$0x2] =	sbarrier.arrive $0xFFFF  }
0xea: {  	p0 =	sne.s32 s0, $0x0;
	s0 =	rddreg [dreg:$0x3]  }
0xeb: {  	s0 =	sadd.s32 @!p0 $0x100000, s0  }
0xec: {  	[sflag:s0] =	ssyncadd.tile.s32 @!p0 $0x1;
	_ =	shalt  }
.Lfunc_end2:
_tile_overlayer_lowered:
.L_overlay_start_2:
0xed: {  	(tag) =	ssettag $0x2  }
0xee: {  	s0 =	rddreg [dreg:$0x0];
	s2 =	stileid.u32  }
0xef: {  	s1 =	rddreg [dreg:$0x1];
	p0 =	sne.s32 s2, $0x0  }
0xf0: {  	s3 =	rddreg [dreg:$0x2];
	[bflag:$0x3] =	sbarrier.arrive $0xFFFF;
	s2 =	simm.s32 @!p0 $0x1C07  }
0xf1: {  	[timem:s3], [sflag:s2] =	dma.local @!p0 [hbm:s0], s1  }
0xf2: {  	s0 =	simm.s32 @!p0 $0x7  }
0xf3: {  	_ =	swait.ge @!p0 [sflag:s0], s1  }
0xf4: {  	s1 =	ssub.s32 @!p0 $0x0, s1;
	[sflag:s0] =	ssyncset.done @!p0 $0x0  }
0xf5: {  	[sflag:s0] =	ssyncadd.s32 @!p0 s1  }
0xf6: {  	[bflag:$0x3] =	sbarrier.arrive $0xFFFF  }
0xf7: {  	_ =	shalt  }

// kernel: kernel.8.cloned.1.call-start
scs
__scs_entry_jumppad:
0x0: {  	(pc) =	sbr.rel $0x88, $3  }
0x1: {  	(tag) =	ssettag $0x0;
	lr =	simm.s32 $0x1  }
0x2: {  	[smem:$0x3F9B] =	sst lr;
	_ =	strace $0xD0000000  }
0x3: {  	_ = 	snop  }
0x4: {  	_ = 	snop  }
0x5: {  	_ = 	snop  }
0x6: {  	_ = 	snop  }
0x7: {  	_ = 	snop  }
__scs_overlays_trampoline_lowered:
0x8: {  	[smem:$0x3FAA] =	sst s0  }
0x9: {  	[smem:$0x3FAB] =	sst s1  }
0xa: {  	[smem:$0x3FAC] =	sst s2  }
0xb: {  	[smem:$0x3FAD] =	sst s3  }
0xc: {  	[smem:$0x3FAE] =	sst s4  }
0xd: {  	[smem:$0x3FAF] =	sst s5  }
0xe: {  	[smem:$0x3FB0] =	sst s6  }
0xf: {  	[smem:$0x3FB1] =	sst s7  }
0x10: {  	[smem:$0x3FB2] =	sst s8  }
0x11: {  	[smem:$0x3FB3] =	sst s9;
	s0 =	simm.s32 @!p0 $0x0  }
0x12: {  	s1 =	sld [smem:$0x3F99];
	s0 =	simm.s32 @p0 $0x1  }
0x13: {  	[smem:$0x3FB4] =	sst s0;
	s0 =	simm.s32 @!p1 $0x0  }
0x14: {  	s2 =	sld [smem:$0x3F98];
	s0 =	simm.s32 @p1 $0x1  }
0x15: {  	[smem:$0x3FB5] =	sst s0;
	s0 =	simm.s32 @!p2 $0x0  }
0x16: {  	s3 =	sld [smem:$0x3FDB];
	s0 =	simm.s32 @p2 $0x1  }
0x17: {  	s4 =	simm.s32 $0x1BF5;
	[smem:$0x3FB7] =	sst s0  }
0x18: {  	s0 =	sld [smem:$0x3F9A];
	_ =	swait.ge [sflag:s4], $0x0  }
0x19: {  	s7 =	sld [smem:$0x3F9B]  }
0x1a: {  	s8 =	sadd.s32 $0xFFFFE003, lr  }
0x1b: {  	s9 =	sadd.s32 $0xFFFFFEF7, lr;
	s5 =	simm.s32 $0xFFFFFFFF;
	p2 =	slt.u32 s8, $0xFFFFF086  }
0x1c: {  	p1 =	slt.u32 s9, $0xF7A;
	s5 =	simm.s32 @!p2 $0x0  }
0x1d: {  	s5 =	simm.s32 @p1 $0x1;
	p0 =	seq.s32 s7, s2  }
0x1e: {  	s7 =	smul.u32 @!p0 $0xF7A, s2;
	p2 =	seq.s32 @!p0 s5, $0x0  }
0x1f: {  	s9 =	smul.u32 $0xF7A, s1;
	s8 =	simm.s32 @!p0 $0x1BF5;
	p2 =	por !p2, p0  }
0x20: {  	[sflag:s8] =	ssyncset.s32 @!p0 $0xFFFFF086;
	s6 =	sadd.s32 @!p0 s3, s7;
	s7 =	simm.s32 @!p0 $0x108  }
0x21: {  	s3 =	sadd.s32 s3, s9;
	s6 =	sadd.s32 @!p0 $0x88, s6;
	s7 =	simm.s32 @p2 $0x1082  }
0x22: {  	[simem:s7], [sflag:s8] =	dma.local @!p0 [hbm:s6], $0xF7A  }
0x23: {  	s9 =	sor.u32 $0xD0000000, s2;
	s6 =	simm.s32 $0x108;
	_ =	swait.ge @!p0 [sflag:s8], $0x0  }
0x24: {  	s3 =	sadd.s32 $0x88, s3;
	s6 =	simm.s32 @!p1 $0x1082;
	[sflag:s4] =	ssyncset.s32 $0xFFFFF086  }
0x25: {  	[simem:s6], [sflag:s4] =	dma.local [hbm:s3], $0xF7A  }
0x26: {  	[smem:$0x3F9B] =	sst s1;
	(tag) =	ssettag s2;
	_ =	strace s9  }
0x27: {  	s1 =	sld [smem:$0x3FAB]  }
0x28: {  	s2 =	sld [smem:$0x3FAC]  }
0x29: {  	s4 =	sld [smem:$0x3FAE]  }
0x2a: {  	p0 =	seq.s32 s5, $0x0;
	s5 =	sld [smem:$0x3FAF]  }
0x2b: {  	s6 =	sld [smem:$0x3FB0]  }
0x2c: {  	s7 =	sld [smem:$0x3FB1]  }
0x2d: {  	s3 =	simm.s32 $0x108;
	s8 =	sld [smem:$0x3FB2]  }
0x2e: {  	s3 =	simm.s32 @!p0 $0x1082;
	s9 =	sld [smem:$0x3FB3]  }
0x2f: {  	lr =	sadd.s32 s0, s3;
	s0 =	sld [smem:$0x3FAA]  }
0x30: {  	s3 =	sld [smem:$0x3FAD]  }
0x31: {  	[smem:$0x3FB6] =	sst s10  }
0x32: {  	s10 =	sld [smem:$0x3FB4];
	_ =	sdelay $0x3  }
0x33: {  	p0 =	seq.s32 s10, $0x1;
	s10 =	sld [smem:$0x3FB6];
	_ =	sdelay $0x3  }
0x34: {  	[smem:$0x3FB6] =	sst s10  }
0x35: {  	s10 =	sld [smem:$0x3FB5];
	_ =	sdelay $0x3  }
0x36: {  	p1 =	seq.s32 s10, $0x1;
	s10 =	sld [smem:$0x3FB6];
	_ =	sdelay $0x3  }
0x37: {  	[smem:$0x3FB6] =	sst s10  }
0x38: {  	s10 =	sld [smem:$0x3FB7]  }
0x39: {  	_ = 	snop;
	(pc) =	sbr.ind lr, $3  }
0x3a: {  	_ = 	snop  }
0x3b: {  	_ = 	snop  }
0x3c: {  	p2 =	seq.s32 s10, $0x1;
	s10 =	sld [smem:$0x3FB6]  }
0x3d: {  	_ =	shalt  }
0x3e: {  	_ =	shalt  }
0x3f: {  	_ =	shalt  }
0x40: {  	_ =	shalt  }
0x41: {  	_ =	shalt  }
0x42: {  	_ =	shalt  }
0x43: {  	_ =	shalt  }
0x44: {  	_ =	shalt  }
0x45: {  	_ =	shalt  }
0x46: {  	_ =	shalt  }
0x47: {  	_ =	shalt  }
0x48: {  	_ =	shalt  }
0x49: {  	_ =	shalt  }
0x4a: {  	_ =	shalt  }
0x4b: {  	_ =	shalt  }
0x4c: {  	_ =	shalt  }
0x4d: {  	_ =	shalt  }
0x4e: {  	_ =	shalt  }
0x4f: {  	_ =	shalt  }
0x50: {  	_ =	shalt  }
0x51: {  	_ =	shalt  }
0x52: {  	_ =	shalt  }
0x53: {  	_ =	shalt  }
0x54: {  	_ =	shalt  }
0x55: {  	_ =	shalt  }
0x56: {  	_ =	shalt  }
0x57: {  	_ =	shalt  }
0x58: {  	_ =	shalt  }
0x59: {  	_ =	shalt  }
0x5a: {  	_ =	shalt  }
0x5b: {  	_ =	shalt  }
0x5c: {  	_ =	shalt  }
0x5d: {  	_ =	shalt  }
0x5e: {  	_ =	shalt  }
0x5f: {  	_ =	shalt  }
0x60: {  	_ =	shalt  }
0x61: {  	_ =	shalt  }
0x62: {  	_ =	shalt  }
0x63: {  	_ =	shalt  }
0x64: {  	_ =	shalt  }
0x65: {  	_ =	shalt  }
0x66: {  	_ =	shalt  }
0x67: {  	_ =	shalt  }
0x68: {  	_ =	shalt  }
0x69: {  	_ =	shalt  }
0x6a: {  	_ =	shalt  }
0x6b: {  	_ =	shalt  }
0x6c: {  	_ =	shalt  }
0x6d: {  	_ =	shalt  }
0x6e: {  	_ =	shalt  }
0x6f: {  	_ =	shalt  }
0x70: {  	_ =	shalt  }
0x71: {  	_ =	shalt  }
0x72: {  	_ =	shalt  }
0x73: {  	_ =	shalt  }
0x74: {  	_ =	shalt  }
0x75: {  	_ =	shalt  }
0x76: {  	_ =	shalt  }
0x77: {  	_ =	shalt  }
0x78: {  	_ =	shalt  }
0x79: {  	_ =	shalt  }
0x7a: {  	_ =	shalt  }
0x7b: {  	_ =	shalt  }
0x7c: {  	_ =	shalt  }
0x7d: {  	_ =	shalt  }
0x7e: {  	_ =	shalt  }
0x7f: {  	_ =	shalt  }
0x80: {  	_ =	shalt  }
0x81: {  	_ =	shalt  }
0x82: {  	_ =	shalt  }
0x83: {  	_ =	shalt  }
0x84: {  	_ =	shalt  }
0x85: {  	_ =	shalt  }
0x86: {  	_ =	shalt  }
0x87: {  	_ =	shalt  }
.Lfunc_end0:
.L_simem_size_0:
called_computation_lowered:
.L_overlay_start_0:
0x88: {  	s2 =	sld [smem:$0x3FD9]  }
0x89: {  	s3 =	sld [smem:$0x3FFE];
	_ =	sdelay $0x1  }
0x8a: {  	s1 =	srdreg.scid  }
0x8b: {  	s0 =	sand.u32 $0x1, s1  }
0x8c: {  	s17 =	sshll.u32 s0, $0xA;
	s2 =	sadd.s32 s3, s2  }
0x8d: {  	s2 =	sadd.s32 s2, s17  }
0x8e: {  	[smem:$0x3FC2] =	sst s2  }
0x8f: {  	_ = 	snop  }
0x90: {  	s2 =	sld [smem:$0x3FD0];
	(tm) =	ssettm $0x1  }
0x91: {  	s18 =	sld [smem:$0x3FFB];
	_ =	sdelay $0x3  }
0x92: {  	_ =	strace s18  }
0x93: {  	s3 =	sld [smem:$0x3FFC];
	_ =	sdelay $0x3  }
0x94: {  	_ =	strace s3  }
0x95: {  	s3 =	sld [smem:$0x3FFD];
	_ =	sdelay $0x3  }
0x96: {  	_ =	strace s3  }
0x97: {  	_ =	strace $0x8FFFFFFF  }
0x98: {  	s19 =	sld [smem:$0x3FDB];
	_ =	sdelay $0x1  }
0x99: {  	s4 =	simm.s32 $_scs_section_size  }
0x9a: {  	s5 =	simm.s32 $_size__tile_overlayer_lowered;
	s6 =	simm.s32 $_tile_overlayer_lowered  }
0x9b: {  	s22 =	simm.s32 $0x1BFF;
	s21 =	sshll.u32 s6, $0x1;
	s3 =	sadd.s32 s4, s19  }
0x9c: {  	s7 =	simm.s32 $0x0;
	s20 =	sshll.u32 s5, $0x1;
	s5 =	sadd.s32 s21, s3  }
0x9d: {  	[timem:s7], [sflag:s22] =	dma.local [hbm:s5], s20  }
0x9e: {  	_ =	swait.ge [sflag:s22], s20  }
0x9f: {  	s4 =	ssub.s32 $0x0, s20;
	[sflag:s22] =	ssyncset.done $0x0  }
0xa0: {  	[sflag:s22] =	ssyncadd.s32 s4;
	_ =	sdelay $0x1  }
0xa1: {  	s23 =	simm.s32 $0x1B8B  }
0xa2: {  	_ =	swait.ge [sflag:s23], $0x1  }
0xa3: {  	[sflag:s23] =	ssyncset.done $0x0  }
0xa4: {  	s25 =	simm.s32 $0x1B8E;
	s24 =	sld [smem:$0x3FFE];
	[sflag:s23] =	ssyncadd.s32 $0xFFFFFFFF  }
0xa5: {  	s26 =	simm.s32 $execute0_lowered;
	[smem:$0x3FD2] =	sst s25  }
0xa6: {  	s5 =	sshll.u32 s26, $0x1;
	_ =	strace $0x80000046;
	[dreg:$0x1] =	wrdreg $0xFFFFFFFF  }
0xa7: {  	s28 =	simm.s32 $_size_execute0_lowered;
	s3 =	sadd.s32 s3, s5;
	[dreg:$0x0] =	wrdreg $0x0  }
0xa8: {  	s5 =	sshll.u32 s28, $0x1;
	[dreg:$0x2] =	wrdreg s3  }
0xa9: {  	[dreg:$0x3] =	wrdreg s5  }
0xaa: {  	[dreg:$0x4] =	wrdreg $0xC0  }
0xab: {  	_ =	task [dreg:s7], $0x5FFFF  }
0xac: {  	[dreg:$0x1] =	wrdreg $0xFFFFFFFF  }
0xad: {  	[dreg:$0x0] =	wrdreg $0x60  }
0xae: {  	[dreg:$0x2] =	wrdreg s2  }
0xaf: {  	[dreg:$0x3] =	wrdreg s24  }
0xb0: {  	[dreg:$0x4] =	wrdreg $0x43000  }
0xb1: {  	[dreg:$0x5] =	wrdreg $0x9  }
0xb2: {  	_ =	task.clear_ibuf [dreg:s7], $0x6FFFF;
	_ =	strace $0x90000046  }
0xb3: {  	s29 =	simm.s32 $0x9;
	_ =	strace $0x80000048  }
0xb4: {  	_ =	swait.ge [sflag:s29], $0x1  }
0xb5: {  	[sflag:s29] =	ssyncadd.s32 $0xFFFFFFFF  }
0xb6: {  	_ =	strace $0x90000048  }
0xb7: {  	_ =	sfence  }
0xb8: {  	s30 =	sld [smem:$0x0];
	_ =	sdelay $0x2  }
0xb9: {  	s31 =	sshll.u32 s1, $0xD;
	s1 =	sshrl.u32 s1, $0x2  }
0xba: {  	s3 =	sand.u32 $0x4000, s31;
	s1 =	sadd.s32 s1, s30  }
0xbb: {  	s0 =	sor.u32 s3, s0;
	s1 =	sshll.u32 s1, $0x11  }
0xbc: {  	s0 =	sor.u32 s1, s0  }
0xbd: {  	s0 =	sadd.s32 $0x8F2B, s0  }
0xbe: {  	[sflag:s0] =	ssyncadd.remote.s32 $0x1  }
0xbf: {  	_ =	sfence.sel $0xFFFF  }
0xc0: {  	[dreg:$0x0] =	wrdreg $0xFFFFFFFF;
	(pc) =	sbr.abs _section_cstart, $3  }
0xc1: {  	[dreg:$0x1] =	wrdreg $0xFFFFFFFF  }
0xc2: {  	_ =	task.clear_ibuf [dreg:s7], $0x2FFFF;
	_ =	strace $0x9FFFFFFF  }
0xc3: {  	(tm) =	ssettm $0x7FFFFFFF  }
tec
execute0_lowered:
.L_overlay_start_1:
0x0: {  	(tag) =	ssettag $0x1  }
0x1: {  	s6 =	rddreg [dreg:$0x0]  }
0x2: {  	s7 =	rddreg [dreg:$0x1]  }
0x3: {  	s2 =	rddreg [dreg:$0x2]  }
0x4: {  	s0 =	rddreg [dreg:$0x3]  }
0x5: {  	s3 =	simm.s32 $0x0;
	s4 =	srdreg.scid;
	s1 =	stileid.u32  }
0x6: {  	s13 =	simm.s32 $0x50;
	s14 =	simm.s32 $0x1;
	s15 =	simm.s32 $0x80  }
0x7: {  	s16 =	simm.s32 $0x100;
	s17 =	simm.s32 $0x0;
	[smem:$0x7FF] =	sst s3  }
0x8: {  	s8 =	sand.u32 $0x1, s4;
	s9 =	smul.u32 $0x500, s1;
	s4 =	sadd.s32 $0x16200, s7  }
0x9: {  	s5 =	sadd.s32 $0x16000, s7;
	s12 =	smul.u32 $0xA00, s1;
	s30 =	sshll.u32 s1, $0xB  }
0xa: {  	_ =	strace $0x80000047;
	s10 =	sshll.u32 s8, $0x7;
	s29 =	ssub.s32 $0x2, s8  }
0xb: {  	s8 =	sshll.u32 s8, $0xF;
	s9 =	sor.u32 s10, s9;
	s11 =	sshrl.u32 s29, $0x1  }
0xc: {  	s31 =	sshrl.u32 s12, $0x2;
	s12 =	simm.s32 $0x4000;
	s9 =	sshrl.u32 s9, $0x3  }
0xd: {  	s10 =	ssub.s32 s29, s11;
	s9 =	sadd.s32 s9, s7;
	s7 =	sadd.s32 s6, s30  }
0xe: {  	s11 =	simm.s32 $0x2;
	s6 =	sadd.s32 s31, s2;
	s7 =	sadd.s32 s8, s7  }
0xf: {  	s8 =	sadd.s32 $0x16400, s9;
	s9 =	smax.u32 s10, $0x1;
	s10 =	simm.s32 $0x4080  }
.LBB2_1:
0x10: {  	[tilespmem:s10], [sflag:$0x2] =	stream.linear.gather [hbm4b:s4+s3], $0x280, $0x38;
	[tilespmem:$0x4580] =	vst v63  }
0x11: {  	_ =	swait.ge [sflag:s11], $0x280  }
0x12: {  	[sflag:s11] =	ssyncset.done $0x0  }
0x13: {  	[sflag:s11] =	ssyncadd.s32 $0xFFFFFD80  }
0x14: {  	[spmem:s6] =	stream.linear.scatter [tilespmem:s10], [sflag:$0x2], $0x280, $0x38;
	[tilespmem:$0x4580] =	vst v63  }
0x15: {  	_ =	swait.ge [sflag:s11], $0x280  }
0x16: {  	[sflag:s11] =	ssyncset.done $0x0  }
0x17: {  	[sflag:s11] =	ssyncadd.s32 $0xFFFFFD80  }
0x18: {  	[tilespmem:s12], [sflag:$0x2] =	stream.linear.gather [hbm4b:s5+s3], $0x80, $0x38;
	[tilespmem:$0x4580] =	vst v63  }
0x19: {  	_ =	swait.ge [sflag:s11], $0x80  }
0x1a: {  	[sflag:s11] =	ssyncset.done $0x0  }
0x1b: {  	[sflag:s11] =	ssyncadd.s32 $0xFFFFFF80  }
0x1c: {  	[tilespmem:s3], [sflag:$0x2] =	stream.linear.gather [hbm4b:s7+s3], $0x3E80, $0x38;
	[tilespmem:$0x4580] =	vst v63  }
0x1d: {  	_ =	swait.ge [sflag:s11], $0x3E80  }
0x1e: {  	[sflag:s11] =	ssyncset.done $0x0  }
0x1f: {  	[sflag:s11] =	ssyncadd.s32 $0xFFFFC180  }
0x20: {  	s18 =	simm.s32 $0x0;
	[bflag:$0x0] =	sbarrier.arrive $0xFFFF  }
0x21: {  	[spmem:s2] =	stream.indirect.scatter.add.f32 [tilespmem:s12], [sflag:$0x1], $0x1, s18, s13, $0xb8;
	[tilespmem:$0x4580] =	vst v63  }
0x22: {  	s28 =	simm.s32 $0x80  }
0x23: {  	[spmem:s2] =	stream.indirect.scatter.add.f32 [tilespmem:s12], [sflag:$0x1], $0x1, s28, s13, $0xb8;
	[tilespmem:$0x4580] =	vst v63  }
0x24: {  	s29 =	simm.s32 $0x100  }
0x25: {  	[spmem:s2] =	stream.indirect.scatter.add.f32 [tilespmem:s12], [sflag:$0x1], $0x1, s29, s13, $0xb8;
	[tilespmem:$0x4580] =	vst v63  }
0x26: {  	s30 =	simm.s32 $0x180  }
0x27: {  	[spmem:s2] =	stream.indirect.scatter.add.f32 [tilespmem:s12], [sflag:$0x1], $0x1, s30, s13, $0xb8;
	[tilespmem:$0x4580] =	vst v63  }
0x28: {  	s31 =	simm.s32 $0x200  }
0x29: {  	[spmem:s2] =	stream.indirect.scatter.add.f32 [tilespmem:s12], [sflag:$0x1], $0x1, s31, s13, $0xb8;
	[tilespmem:$0x4580] =	vst v63  }
0x2a: {  	_ =	swait.ge [sflag:s14], $0x50  }
0x2b: {  	[sflag:s14] =	ssyncset.done $0x0  }
0x2c: {  	[sflag:s14] =	ssyncadd.s32 $0xFFFFFFB0  }
0x2d: {  	_ =	swait.ge [sflag:s14], $0x50  }
0x2e: {  	[sflag:s14] =	ssyncset.done $0x0  }
0x2f: {  	[sflag:s14] =	ssyncadd.s32 $0xFFFFFFB0  }
0x30: {  	_ =	swait.ge [sflag:s14], $0x50  }
0x31: {  	[sflag:s14] =	ssyncset.done $0x0  }
0x32: {  	[sflag:s14] =	ssyncadd.s32 $0xFFFFFFB0  }
0x33: {  	_ =	swait.ge [sflag:s14], $0x50  }
0x34: {  	[sflag:s14] =	ssyncset.done $0x0  }
0x35: {  	[sflag:s14] =	ssyncadd.s32 $0xFFFFFFB0  }
0x36: {  	_ =	swait.ge [sflag:s14], $0x50  }
0x37: {  	s19 =	simm.s32 $0x1400;
	s18 =	simm.s32 $0xA00;
	[sflag:s14] =	ssyncset.done $0x0  }
.LBB2_2:
0x38: {  	s20 =	sshra.s32 s18, $0x2  }
0x39: {  	[sflag:s14] =	ssyncadd.s32 $0xFFFFFFB0;
	s18 =	smov.u32 s19;
	s21 =	sadd.s32 $0xA00, s19  }
0x3a: {  	[spmem:s2] =	stream.indirect.scatter.add.f32 [tilespmem:s12], [sflag:$0x1], $0x1, s20, s13, $0xb8;
	[tilespmem:$0x4580] =	vst v63  }
0x3b: {  	p0 =	sne.s32 s19, $0xF000;
	s19 =	sadd.s32 $0x80, s20  }
0x3c: {  	[spmem:s2] =	stream.indirect.scatter.add.f32 [tilespmem:s12], [sflag:$0x1], $0x1, s19, s13, $0xb8;
	[tilespmem:$0x4580] =	vst v63  }
0x3d: {  	s19 =	sadd.s32 $0x100, s20  }
0x3e: {  	[spmem:s2] =	stream.indirect.scatter.add.f32 [tilespmem:s12], [sflag:$0x1], $0x1, s19, s13, $0xb8;
	[tilespmem:$0x4580] =	vst v63  }
0x3f: {  	s19 =	sadd.s32 $0x180, s20  }
0x40: {  	[spmem:s2] =	stream.indirect.scatter.add.f32 [tilespmem:s12], [sflag:$0x1], $0x1, s19, s13, $0xb8;
	[tilespmem:$0x4580] =	vst v63  }
0x41: {  	s19 =	sadd.s32 $0x200, s20  }
0x42: {  	[spmem:s2] =	stream.indirect.scatter.add.f32 [tilespmem:s12], [sflag:$0x1], $0x1, s19, s13, $0xb8;
	[tilespmem:$0x4580] =	vst v63  }
0x43: {  	_ =	swait.ge [sflag:s14], $0x50  }
0x44: {  	[sflag:s14] =	ssyncset.done $0x0  }
0x45: {  	[sflag:s14] =	ssyncadd.s32 $0xFFFFFFB0  }
0x46: {  	_ =	swait.ge [sflag:s14], $0x50  }
0x47: {  	[sflag:s14] =	ssyncset.done $0x0  }
0x48: {  	[sflag:s14] =	ssyncadd.s32 $0xFFFFFFB0  }
0x49: {  	_ =	swait.ge [sflag:s14], $0x50  }
0x4a: {  	[sflag:s14] =	ssyncset.done $0x0  }
0x4b: {  	[sflag:s14] =	ssyncadd.s32 $0xFFFFFFB0  }
.Ltmp0:
0x4c: {  	_ =	swait.ge [sflag:s14], $0x50;
	(pc) =	sbr.rel @p0 .LBB2_2-.Ltmp0, $4  }
0x4d: {  	[sflag:s14] =	ssyncset.done $0x0  }
0x4e: {  	[sflag:s14] =	ssyncadd.s32 $0xFFFFFFB0  }
0x4f: {  	_ =	swait.ge [sflag:s14], $0x50  }
0x50: {  	s19 =	smov.u32 s21;
	[sflag:s14] =	ssyncset.done $0x0  }
0x51: {  	s18 =	sshra.s32 s18, $0x2;
	[sflag:s14] =	ssyncadd.s32 $0xFFFFFFB0  }
0x52: {  	[spmem:s2] =	stream.indirect.scatter.add.f32 [tilespmem:s12], [sflag:$0x1], $0x1, s18, s13, $0xb8;
	[tilespmem:$0x4580] =	vst v63  }
0x53: {  	s19 =	sadd.s32 $0x80, s18  }
0x54: {  	[spmem:s2] =	stream.indirect.scatter.add.f32 [tilespmem:s12], [sflag:$0x1], $0x1, s19, s13, $0xb8;
	[tilespmem:$0x4580] =	vst v63  }
0x55: {  	s30 =	sadd.s32 $0x100, s18  }
0x56: {  	[spmem:s2] =	stream.indirect.scatter.add.f32 [tilespmem:s12], [sflag:$0x1], $0x1, s30, s13, $0xb8;
	[tilespmem:$0x4580] =	vst v63  }
0x57: {  	s31 =	sadd.s32 $0x180, s18  }
0x58: {  	[spmem:s2] =	stream.indirect.scatter.add.f32 [tilespmem:s12], [sflag:$0x1], $0x1, s31, s13, $0xb8;
	[tilespmem:$0x4580] =	vst v63  }
0x59: {  	s18 =	sadd.s32 $0x200, s18  }
0x5a: {  	[spmem:s2] =	stream.indirect.scatter.add.f32 [tilespmem:s12], [sflag:$0x1], $0x1, s18, s13, $0xb8;
	[tilespmem:$0x4580] =	vst v63  }
0x5b: {  	_ =	swait.ge [sflag:s14], $0x50  }
0x5c: {  	[sflag:s14] =	ssyncset.done $0x0  }
0x5d: {  	[sflag:s14] =	ssyncadd.s32 $0xFFFFFFB0  }
0x5e: {  	_ =	swait.ge [sflag:s14], $0x50  }
0x5f: {  	[sflag:s14] =	ssyncset.done $0x0  }
0x60: {  	[sflag:s14] =	ssyncadd.s32 $0xFFFFFFB0  }
0x61: {  	_ =	swait.ge [sflag:s14], $0x50  }
0x62: {  	[sflag:s14] =	ssyncset.done $0x0  }
0x63: {  	[sflag:s14] =	ssyncadd.s32 $0xFFFFFFB0  }
0x64: {  	_ =	swait.ge [sflag:s14], $0x50  }
0x65: {  	[sflag:s14] =	ssyncset.done $0x0  }
0x66: {  	[sflag:s14] =	ssyncadd.s32 $0xFFFFFFB0  }
0x67: {  	_ =	swait.ge [sflag:s14], $0x50  }
0x68: {  	[sflag:s14] =	ssyncset.done $0x0  }
0x69: {  	[sflag:s14] =	ssyncadd.s32 $0xFFFFFFB0  }
0x6a: {  	[bflag:$0x0] =	sbarrier.arrive $0xFFFF  }
0x6b: {  	[tilespmem:s10], [sflag:$0x2] =	stream.linear.gather [spmem:s6], $0x280, $0x38;
	[tilespmem:$0x4580] =	vst v63  }
0x6c: {  	s17 =	sadd.s32 $0x1, s17;
	_ =	swait.ge [sflag:s11], $0x280  }
0x6d: {  	p0 =	sne.s32 s17, s9;
	[sflag:s11] =	ssyncset.done $0x0  }
.Ltmp1:
0x6e: {  	[sflag:s11] =	ssyncadd.s32 $0xFFFFFD80;
	(pc) =	sbr.rel @p0 .LBB2_1-.Ltmp1, $4  }
0x6f: {  	[hbm4b:s8+s15] =	stream.strided.scatter [tilespmem:s10], [sflag:$0x2], $0x280, s16, s15, $0x38;
	[tilespmem:$0x4580] =	vst v63  }
0x70: {  	_ =	swait.ge [sflag:s11], $0x280  }
0x71: {  	[sflag:s11] =	ssyncset.done $0x0  }
0x72: {  	[sflag:s11] =	ssyncadd.s32 $0xFFFFFD80  }
0x73: {  	_ =	sfence.sel $0x180000  }
0x74: {  	[bflag:$0x0] =	sbarrier.arrive $0xFFFF  }
0x75: {  	p0 =	sne.s32 s1, $0x0;
	_ =	strace $0x90000047  }
0x76: {  	s0 =	sadd.s32 @!p0 $0x100000, s0;
	[bflag:$0x2] =	sbarrier.arrive $0xFFFF  }
0x77: {  	[sflag:s0] =	ssyncadd.tile.s32 @!p0 $0x1;
	_ =	shalt  }
.Lfunc_end2:
_tile_overlayer_lowered:
.L_overlay_start_2:
0x78: {  	(tag) =	ssettag $0x2  }
0x79: {  	s0 =	rddreg [dreg:$0x0];
	s2 =	stileid.u32  }
0x7a: {  	s1 =	rddreg [dreg:$0x1];
	p0 =	sne.s32 s2, $0x0  }
0x7b: {  	s3 =	rddreg [dreg:$0x2];
	[bflag:$0x3] =	sbarrier.arrive $0xFFFF;
	s2 =	simm.s32 @!p0 $0x1C02  }
0x7c: {  	[timem:s3], [sflag:s2] =	dma.local @!p0 [hbm:s0], s1  }
0x7d: {  	s0 =	simm.s32 @!p0 $0x2  }
0x7e: {  	_ =	swait.ge @!p0 [sflag:s0], s1  }
0x7f: {  	s1 =	ssub.s32 @!p0 $0x0, s1;
	[sflag:s0] =	ssyncset.done @!p0 $0x0  }
0x80: {  	[sflag:s0] =	ssyncadd.s32 @!p0 s1  }
0x81: {  	[bflag:$0x3] =	sbarrier.arrive $0xFFFF  }
0x82: {  	_ =	shalt  }

</sc_bundles>
